<compile_context>
chip_gen: v7x
topology: tpu7x:2x2x1
jax: 0.10.2.dev20260603
libtpu: 0.0.44.dev20260713+nightly
codegen_flags: <defaults>
</compile_context>

<pallas_src>
import dataclasses
import functools

import jax
import jax.numpy as jnp
from jax import lax
from jax.experimental import pallas as pl
from jax.experimental.pallas import tpu as pltpu
from jax.experimental.pallas import tpu_sc as plsc

N = 10000
D_FEAT = 128
R = 0.2
MAX_NB = 64
M = 5000
D_HID = 128
D_OUT = 128

NPAD = 10240
NROWS = 80
RR = R * R

NSUB = 32
QPW = 157
NP2 = 10048
NCHUNK2 = NP2 // 16



def _fps_kernel(px_ref, py_ref, pz_ref, sel_ref, qx_ref, qy_ref, qz_ref):
    px = px_ref[...]
    py = py_ref[...]
    pz = pz_ref[...]
    iota = jax.lax.broadcasted_iota(jnp.int32, (NROWS, 128), 0) * 128 + \
        jax.lax.broadcasted_iota(jnp.int32, (NROWS, 128), 1)
    pad = iota >= N
    x0 = px_ref[0, 0]
    y0 = py_ref[0, 0]
    z0 = pz_ref[0, 0]
    dx = px - x0
    dy = py - y0
    dz = pz - z0
    d0 = (dx * dx + dy * dy) + dz * dz
    dists = jnp.where(pad, -jnp.inf, d0)
    sel_ref[0] = 0
    qx_ref[0] = x0
    qy_ref[0] = y0
    qz_ref[0] = z0

    lane_iota = jax.lax.broadcasted_iota(jnp.int32, (1, 128), 1)

    def body(i, dists):
        m = jnp.max(dists)
        nxt = jnp.min(jnp.where(dists == m, iota, jnp.int32(2**30)))
        r = nxt >> 7
        lane = lane_iota == (nxt & 127)
        sx = jnp.sum(jnp.where(lane, px_ref[pl.ds(r, 1), :], 0.0))
        sy = jnp.sum(jnp.where(lane, py_ref[pl.ds(r, 1), :], 0.0))
        sz = jnp.sum(jnp.where(lane, pz_ref[pl.ds(r, 1), :], 0.0))
        sel_ref[i] = nxt
        qx_ref[i] = sx
        qy_ref[i] = sy
        qz_ref[i] = sz
        dx = px - sx
        dy = py - sy
        dz = pz - sz
        d = (dx * dx + dy * dy) + dz * dz
        return jnp.minimum(dists, d)

    jax.lax.fori_loop(1, M, body, dists)


def _fps(px, py, pz):
    sel, qx, qy, qz = pl.pallas_call(
        _fps_kernel,
        in_specs=[pl.BlockSpec(memory_space=pltpu.VMEM)] * 3,
        out_specs=[pl.BlockSpec(memory_space=pltpu.SMEM)] * 4,
        out_shape=[
            jax.ShapeDtypeStruct((M,), jnp.int32),
            jax.ShapeDtypeStruct((M,), jnp.float32),
            jax.ShapeDtypeStruct((M,), jnp.float32),
            jax.ShapeDtypeStruct((M,), jnp.float32),
        ],
    )(px.reshape(NROWS, 128), py.reshape(NROWS, 128), pz.reshape(NROWS, 128))
    qpos = jnp.stack([qx, qy, qz], axis=-1)
    return sel, qpos



def _dense_y_kernel(x_ref, w_ref, b_ref, y_ref):
    y_ref[...] = jnp.dot(x_ref[...], w_ref[...],
                         preferred_element_type=jnp.float32) + b_ref[...]


def _dense_y(x, W1a, b1):
    return pl.pallas_call(
        _dense_y_kernel,
        in_specs=[pl.BlockSpec(memory_space=pltpu.VMEM)] * 3,
        out_specs=pl.BlockSpec(memory_space=pltpu.VMEM),
        out_shape=jax.ShapeDtypeStruct((N, D_FEAT), jnp.float32),
    )(x, W1a, b1.reshape(1, D_FEAT))



def _sc_select_gather(pxp, pyp, pzp, sel, y):
    mesh = plsc.VectorSubcoreMesh(core_axis_name="c", subcore_axis_name="s")
    cp = pltpu.CompilerParams()
    if "needs_layout_passes" in pltpu.CompilerParams.__dataclass_fields__:
        cp = dataclasses.replace(cp, needs_layout_passes=False)

    @functools.partial(
        pl.kernel,
        mesh=mesh,
        compiler_params=cp,
        out_type=[
            jax.ShapeDtypeStruct((M * MAX_NB, D_FEAT), jnp.float32),
            jax.ShapeDtypeStruct((M, 4, MAX_NB), jnp.float32),
        ],
        scratch_types=[
            pltpu.VMEM((NP2,), jnp.float32),
            pltpu.VMEM((NP2,), jnp.float32),
            pltpu.VMEM((NP2,), jnp.float32),
            pltpu.VMEM((NP2,), jnp.float32),
            pltpu.VMEM((NP2,), jnp.float32),
            pltpu.VMEM((NP2,), jnp.float32),
            pltpu.VMEM((NP2,), jnp.float32),
            pltpu.VMEM((M,), jnp.int32),
            pltpu.VMEM((128,), jnp.int32),
            pltpu.VMEM((128,), jnp.int32),
            pltpu.VMEM((MAX_NB,), jnp.int32),
            pltpu.VMEM((MAX_NB,), jnp.int32),
            pltpu.VMEM((MAX_NB, D_FEAT), jnp.float32),
            pltpu.VMEM((MAX_NB, D_FEAT), jnp.float32),
            pltpu.VMEM((4, MAX_NB), jnp.float32),
            pltpu.VMEM((4, MAX_NB), jnp.float32),
            pltpu.SemaphoreType.DMA,
            pltpu.SemaphoreType.DMA,
            pltpu.SemaphoreType.DMA,
            pltpu.SemaphoreType.DMA,
            pltpu.SemaphoreType.DMA,
            pltpu.SemaphoreType.DMA,
        ],
    )
    def k(px_hbm, py_hbm, pz_hbm, sel_hbm, y_hbm,
          yg_hbm, relq_hbm,
          pxv, pyv, pzv, pxb, pyb, pzb, pnv, selv,
          colbuf0, colbuf1, idxbuf0, idxbuf1, yrows0, yrows1,
          relall0, relall1, gsem0, gsem1, rsem0, rsem1, ysem0, ysem1):
        wid = lax.axis_index("s") * 2 + lax.axis_index("c")
        pltpu.sync_copy(px_hbm, pxv)
        pltpu.sync_copy(py_hbm, pyv)
        pltpu.sync_copy(pz_hbm, pzv)
        pltpu.sync_copy(sel_hbm, selv)
        i16 = lax.iota(jnp.int32, 16)
        q0 = wid * QPW
        qend = jnp.minimum(q0 + QPW, M)
        nq = qend - q0
        sets = [(colbuf0, idxbuf0, yrows0, relall0, gsem0, rsem0, ysem0),
                (colbuf1, idxbuf1, yrows1, relall1, gsem1, rsem1, ysem1)]

        def _bf(v):
            u = lax.bitcast_convert_type(v, jnp.uint32)
            u = (u + jnp.uint32(0x7FFF) + ((u >> jnp.uint32(16)) & jnp.uint32(1))) \
                & jnp.uint32(0xFFFF0000)
            return lax.bitcast_convert_type(u, jnp.float32)

        @pl.loop(0, NCHUNK2)
        def _(c):
            base = c * 16
            pxc = pxv[pl.ds(base, 16)]
            pyc = pyv[pl.ds(base, 16)]
            pzc = pzv[pl.ds(base, 16)]
            pnv[pl.ds(base, 16)] = (pxc * pxc + pyc * pyc) + pzc * pzc
            pxb[pl.ds(base, 16)] = _bf(pxc)
            pyb[pl.ds(base, 16)] = _bf(pyc)
            pzb[pl.ds(base, 16)] = _bf(pzc)

        def do_query(tt, b):
            colbuf, idxbuf, yrows, relall, gsem, rsem, ysem = sets[b]
            q = q0 + tt

            @pl.when(q < qend)
            def _():
                qm2 = q - 2

                @pl.when(tt >= 2)
                def _():
                    pltpu.make_async_copy(y_hbm.at[idxbuf], yrows, gsem).wait()
                    pltpu.async_copy(
                        yrows, yg_hbm.at[pl.ds(qm2 * MAX_NB, MAX_NB)], ysem)
                    pltpu.make_async_copy(relall, relq_hbm.at[qm2], rsem).wait()

                qsplat = plsc.load_gather(selv, [jnp.full((16,), 0, jnp.int32) + q])
                qx = plsc.load_gather(pxv, [qsplat])
                qy = plsc.load_gather(pyv, [qsplat])
                qz = plsc.load_gather(pzv, [qsplat])
                q2s = (qx * qx + qy * qy) + qz * qz
                qxb = _bf(qx)
                qyb = _bf(qy)
                qzb = _bf(qz)

                def cond(carry):
                    c, cnt = carry
                    return jnp.logical_and(c < NCHUNK2, cnt < MAX_NB)

                def body(carry):
                    c, cnt = carry

                    def one(base, cnt):
                        dot = (qxb * pxb[pl.ds(base, 16)]
                               + qyb * pyb[pl.ds(base, 16)]) \
                            + qzb * pzb[pl.ds(base, 16)]
                        d2 = (q2s + pnv[pl.ds(base, 16)]) - 2.0 * dot
                        msk = d2 <= RR
                        csum = plsc.cumsum(jnp.ones((16,), jnp.int32), mask=msk)
                        ppos = cnt + csum - 1
                        okm = jnp.logical_and(msk, ppos < 128)
                        plsc.store_scatter(colbuf, [ppos], base + i16, mask=okm)
                        return cnt + jnp.max(plsc.all_reduce_population_count(msk))

                    cnt = one(c * 16, cnt)
                    cnt = one(c * 16 + 16, cnt)
                    cnt = one(c * 16 + 32, cnt)
                    cnt = one(c * 16 + 48, cnt)
                    return c + 4, cnt

                _, cnt = lax.while_loop(cond, body, (jnp.int32(0), jnp.int32(0)))
                nv = jnp.minimum(cnt, MAX_NB)

                for kk in range(MAX_NB // 16):
                    off = kk * 16
                    ii = off + i16
                    cv = colbuf[pl.ds(off, 16)]
                    inb = ii < nv
                    safe = jnp.where(inb, cv, 0)
                    idxbuf[pl.ds(off, 16)] = safe
                    gx = plsc.load_gather(pxv, [safe])
                    gy = plsc.load_gather(pyv, [safe])
                    gz = plsc.load_gather(pzv, [safe])
                    relall[0, pl.ds(off, 16)] = gx - qx
                    relall[1, pl.ds(off, 16)] = gy - qy
                    relall[2, pl.ds(off, 16)] = gz - qz
                    relall[3, pl.ds(off, 16)] = jnp.where(inb, 1.0, 0.0)

                @pl.when(tt >= 2)
                def _():
                    pltpu.make_async_copy(
                        yrows, yg_hbm.at[pl.ds(qm2 * MAX_NB, MAX_NB)], ysem).wait()

                pltpu.async_copy(y_hbm.at[idxbuf], yrows, gsem)
                pltpu.async_copy(relall, relq_hbm.at[q], rsem)

        @pl.loop(0, QPW + 1, step=2)
        def _(t):
            do_query(t, 0)
            do_query(t + 1, 1)

        for b in range(2):
            colbuf, idxbuf, yrows, relall, gsem, rsem, ysem = sets[b]
            cntb = (nq - b + 1) // 2
            qlast = q0 + (cntb - 1) * 2 + b
            pltpu.make_async_copy(y_hbm.at[idxbuf], yrows, gsem).wait()
            pltpu.async_copy(yrows, yg_hbm.at[pl.ds(qlast * MAX_NB, MAX_NB)], ysem)
            pltpu.make_async_copy(relall, relq_hbm.at[qlast], rsem).wait()
            pltpu.make_async_copy(
                yrows, yg_hbm.at[pl.ds(qlast * MAX_NB, MAX_NB)], ysem).wait()

    return k(pxp, pyp, pzp, sel, y)



QT = 200


def _mlp_kernel(yg_ref, r4_ref, w1b_ref, w2_ref, b2_ref, out_ref):
    h1 = yg_ref[...] + jnp.dot(r4_ref[...], w1b_ref[...],
                               preferred_element_type=jnp.float32)
    h1 = jnp.maximum(h1, 0.0)
    h2 = jnp.dot(h1, w2_ref[...], preferred_element_type=jnp.float32) + b2_ref[...]
    h2 = jnp.maximum(h2, 0.0)
    h2 = h2 * r4_ref[:, 3:4]
    out_ref[...] = jnp.max(h2.reshape(QT, MAX_NB, D_OUT), axis=1)


def _mlp_max(yg, r4, W1b4, W2, b2):
    return pl.pallas_call(
        _mlp_kernel,
        grid=(M // QT,),
        in_specs=[
            pl.BlockSpec((QT * MAX_NB, D_FEAT), lambda i: (i, 0)),
            pl.BlockSpec((QT * MAX_NB, 4), lambda i: (i, 0)),
            pl.BlockSpec((4, D_HID), lambda i: (0, 0)),
            pl.BlockSpec((D_HID, D_OUT), lambda i: (0, 0)),
            pl.BlockSpec((1, D_OUT), lambda i: (0, 0)),
        ],
        out_specs=pl.BlockSpec((QT, D_OUT), lambda i: (i, 0)),
        out_shape=jax.ShapeDtypeStruct((M, D_OUT), jnp.float32),
    )(yg, r4, W1b4, W2, b2.reshape(1, D_OUT))



def kernel(x, pos, batch, W1, b1, W2, b2):
    px = pos[:, 0]
    py = pos[:, 1]
    pz = pos[:, 2]
    pxp = jnp.pad(px, (0, NPAD - N))
    pyp = jnp.pad(py, (0, NPAD - N))
    pzp = jnp.pad(pz, (0, NPAD - N))
    sel, qpos = _fps(pxp, pyp, pzp)
    y = _dense_y(x, W1[:D_FEAT], b1)
    far = jnp.float32(1e9)
    px2 = jnp.pad(px, (0, NP2 - N), constant_values=far)
    py2 = jnp.pad(py, (0, NP2 - N), constant_values=far)
    pz2 = jnp.pad(pz, (0, NP2 - N), constant_values=far)
    yg, relq = _sc_select_gather(px2, py2, pz2, sel, y)
    r4 = jnp.transpose(relq, (0, 2, 1)).reshape(M * MAX_NB, 4)
    W1b4 = jnp.concatenate([W1[D_FEAT:], jnp.zeros((1, D_HID), jnp.float32)], axis=0)
    out = _mlp_max(yg, r4, W1b4, W2, b2)
    return (out, qpos, jnp.take(batch, sel))

# --- scband reference (transcript-rebuilt; emitter-appended) ---
"""Pipeline reference for scband-samodule-2860448219403 (READ-ONLY COPY).

The authoritative reference and input builder live on the scoring server;
editing this copy changes nothing except your own understanding.
"""

import jax, jax.numpy as jnp
import numpy as np

N = 10000
D_FEAT = 128
RATIO = 0.5
R = 0.2
MAX_NB = 64
M = int(N * RATIO)
D_HID = 128
D_OUT = 128


def fps(pos, n_samples):
    # farthest point sampling, deterministic start at index 0
    d0 = jnp.sum((pos - pos[0]) ** 2, axis=1)
    sel0 = jnp.zeros((n_samples,), dtype=jnp.int32)

    def body(i, state):
        dists, sel = state
        nxt = jnp.argmax(dists).astype(jnp.int32)
        sel = sel.at[i].set(nxt)
        d = jnp.sum((pos - pos[nxt]) ** 2, axis=1)
        return (jnp.minimum(dists, d), sel)

    _, sel = jax.lax.fori_loop(1, n_samples, body, (d0, sel0))
    return sel


def radius_neighbors(pos, qpos, r, max_nb, chunk=500):
    # for each query, up to max_nb neighbors within radius r (lowest index first,
    # matching torch_geometric CPU radius which returns neighbors in index order)
    n = pos.shape[0]
    pn = jnp.sum(pos ** 2, axis=1)
    idxf = jnp.arange(n, dtype=jnp.float32)

    def one_chunk(qc):
        d2 = jnp.sum(qc ** 2, axis=1)[:, None] + pn[None, :] - 2.0 * (qc @ pos.T)
        mask = d2 <= r * r
        score = jnp.where(mask, -idxf[None, :], -jnp.inf)
        vals, cols = jax.lax.top_k(score, max_nb)
        return cols, jnp.isfinite(vals)

    qch = qpos.reshape(-1, chunk, qpos.shape[1])
    cols, valid = jax.lax.map(one_chunk, qch)
    return cols.reshape(-1, max_nb), valid.reshape(-1, max_nb)


def setup_inputs(seed: int = 0):
    key = jax.random.key(seed)
    k1, k2, k3, k4, k5, k6 = jax.random.split(key, 6)
    x = jax.random.normal(k1, (N, D_FEAT), dtype=jnp.float32)
    pos = jax.random.uniform(k2, (N, 3), dtype=jnp.float32)
    batch = jnp.zeros((N,), dtype=jnp.int32)
    s1 = 1.0 / float(np.sqrt(D_FEAT + 3))
    W1 = jax.random.uniform(k3, (D_FEAT + 3, D_HID), minval=-s1, maxval=s1, dtype=jnp.float32)
    b1 = jax.random.uniform(k4, (D_HID,), minval=-s1, maxval=s1, dtype=jnp.float32)
    s2 = 1.0 / float(np.sqrt(D_HID))
    W2 = jax.random.uniform(k5, (D_HID, D_OUT), minval=-s2, maxval=s2, dtype=jnp.float32)
    b2 = jax.random.uniform(k6, (D_OUT,), minval=-s2, maxval=s2, dtype=jnp.float32)
    return {"x": x, "pos": pos, "batch": batch, "W1": W1, "b1": b1, "W2": W2, "b2": b2}


def reference(x, pos, batch, W1, b1, W2, b2):
    idx = fps(pos, M)
    qpos = pos[idx]
    cols, valid = radius_neighbors(pos, qpos, R, MAX_NB)
    # PointConv: message = nn(concat(x_j, pos_j - pos_i)); max-aggregate per centroid
    x_j = x[cols]                      # [M, MAX_NB, D_FEAT]
    rel = pos[cols] - qpos[:, None, :]  # [M, MAX_NB, 3]
    h = jnp.concatenate([x_j, rel], axis=-1)
    h = jax.nn.relu(h @ W1 + b1)
    h = jax.nn.relu(h @ W2 + b2)
    h = jnp.where(valid[:, :, None], h, -jnp.inf)
    out = jnp.max(h, axis=1)
    out = jnp.where(jnp.isfinite(out), out, 0.0)
    return (out, qpos, batch[idx])

if __name__ == "__main__":
    import jax
    _d = setup_inputs()
    print(jax.jit(kernel)(*tuple(_d.values())))

</pallas_src>

<mosaic_0001>
#map = affine_map<(d0, d1) -> (0)>
#map1 = affine_map<(d0, d1) -> (0, 0)>
#map2 = affine_map<(d0, d1) -> (0, 0, 0)>
module attributes {stable_mosaic.version = 14 : i64} {
  func.func @k(%arg0: i32, %arg1: i32, %arg2: memref<10048xf32, #tpu.memory_space<hbm>>, %arg3: memref<10048xf32, #tpu.memory_space<hbm>>, %arg4: memref<10048xf32, #tpu.memory_space<hbm>>, %arg5: memref<5000xi32, #tpu.memory_space<hbm>>, %arg6: memref<10000x128xf32, #tpu.memory_space<hbm>>, %arg7: memref<320000x128xf32, #tpu.memory_space<hbm>>, %arg8: memref<5000x4x64xf32, #tpu.memory_space<hbm>>, %arg9: memref<10048xf32, #tpu.memory_space<vmem>>, %arg10: memref<10048xf32, #tpu.memory_space<vmem>>, %arg11: memref<10048xf32, #tpu.memory_space<vmem>>, %arg12: memref<10048xf32, #tpu.memory_space<vmem>>, %arg13: memref<10048xf32, #tpu.memory_space<vmem>>, %arg14: memref<10048xf32, #tpu.memory_space<vmem>>, %arg15: memref<10048xf32, #tpu.memory_space<vmem>>, %arg16: memref<5000xi32, #tpu.memory_space<vmem>>, %arg17: memref<128xi32, #tpu.memory_space<vmem>>, %arg18: memref<128xi32, #tpu.memory_space<vmem>>, %arg19: memref<64xi32, #tpu.memory_space<vmem>>, %arg20: memref<64xi32, #tpu.memory_space<vmem>>, %arg21: memref<64x128xf32, #tpu.memory_space<vmem>>, %arg22: memref<64x128xf32, #tpu.memory_space<vmem>>, %arg23: memref<4x64xf32, #tpu.memory_space<vmem>>, %arg24: memref<4x64xf32, #tpu.memory_space<vmem>>, %arg25: memref<!tpu.dma_semaphore, #tpu.memory_space<semaphore_mem>>, %arg26: memref<!tpu.dma_semaphore, #tpu.memory_space<semaphore_mem>>, %arg27: memref<!tpu.dma_semaphore, #tpu.memory_space<semaphore_mem>>, %arg28: memref<!tpu.dma_semaphore, #tpu.memory_space<semaphore_mem>>, %arg29: memref<!tpu.dma_semaphore, #tpu.memory_space<semaphore_mem>>, %arg30: memref<!tpu.dma_semaphore, #tpu.memory_space<semaphore_mem>>) attributes {dimension_semantics = [#tpu.dimension_semantics<core_parallel>, #tpu.dimension_semantics<subcore_parallel>], iteration_bounds = array<i64: 2, 16>, scalar_prefetch = 0 : i64, scratch_operands = 22 : i64, tpu.core_type = #tpu.core_type<sc_vector_subcore>, window_params = [{transform_indices = #map}, {transform_indices = #map}, {transform_indices = #map}, {transform_indices = #map}, {transform_indices = #map1}, {transform_indices = #map1}, {transform_indices = #map2}]} {
    %mul3A = arith.constant 2 : i32
    %mul3A_0 = arith.muli %arg1, %mul3A : i32
    %add3A = arith.addi %mul3A_0, %arg0 : i32
    "tpu.region"() ({
      %run_scoped3A = tpu.sem_alloc : memref<!tpu.dma_semaphore, #tpu.memory_space<semaphore_mem>>
      tpu.enqueue_dma source(%arg2 : memref<10048xf32, #tpu.memory_space<hbm>>) target(%arg9 : memref<10048xf32, #tpu.memory_space<vmem>>) target_semaphore(%run_scoped3A : memref<!tpu.dma_semaphore, #tpu.memory_space<semaphore_mem>>)
      tpu.wait_dma2 semaphore(%run_scoped3A : memref<!tpu.dma_semaphore, #tpu.memory_space<semaphore_mem>>) src(%arg2 : memref<10048xf32, #tpu.memory_space<hbm>>) dst(%arg9 : memref<10048xf32, #tpu.memory_space<vmem>>)
      tpu.yield
    }) : () -> ()
    "tpu.region"() ({
      %run_scoped3A = tpu.sem_alloc : memref<!tpu.dma_semaphore, #tpu.memory_space<semaphore_mem>>
      tpu.enqueue_dma source(%arg3 : memref<10048xf32, #tpu.memory_space<hbm>>) target(%arg10 : memref<10048xf32, #tpu.memory_space<vmem>>) target_semaphore(%run_scoped3A : memref<!tpu.dma_semaphore, #tpu.memory_space<semaphore_mem>>)
      tpu.wait_dma2 semaphore(%run_scoped3A : memref<!tpu.dma_semaphore, #tpu.memory_space<semaphore_mem>>) src(%arg3 : memref<10048xf32, #tpu.memory_space<hbm>>) dst(%arg10 : memref<10048xf32, #tpu.memory_space<vmem>>)
      tpu.yield
    }) : () -> ()
    "tpu.region"() ({
      %run_scoped3A = tpu.sem_alloc : memref<!tpu.dma_semaphore, #tpu.memory_space<semaphore_mem>>
      tpu.enqueue_dma source(%arg4 : memref<10048xf32, #tpu.memory_space<hbm>>) target(%arg11 : memref<10048xf32, #tpu.memory_space<vmem>>) target_semaphore(%run_scoped3A : memref<!tpu.dma_semaphore, #tpu.memory_space<semaphore_mem>>)
      tpu.wait_dma2 semaphore(%run_scoped3A : memref<!tpu.dma_semaphore, #tpu.memory_space<semaphore_mem>>) src(%arg4 : memref<10048xf32, #tpu.memory_space<hbm>>) dst(%arg11 : memref<10048xf32, #tpu.memory_space<vmem>>)
      tpu.yield
    }) : () -> ()
    "tpu.region"() ({
      %run_scoped3A = tpu.sem_alloc : memref<!tpu.dma_semaphore, #tpu.memory_space<semaphore_mem>>
      tpu.enqueue_dma source(%arg5 : memref<5000xi32, #tpu.memory_space<hbm>>) target(%arg16 : memref<5000xi32, #tpu.memory_space<vmem>>) target_semaphore(%run_scoped3A : memref<!tpu.dma_semaphore, #tpu.memory_space<semaphore_mem>>)
      tpu.wait_dma2 semaphore(%run_scoped3A : memref<!tpu.dma_semaphore, #tpu.memory_space<semaphore_mem>>) src(%arg5 : memref<5000xi32, #tpu.memory_space<hbm>>) dst(%arg16 : memref<5000xi32, #tpu.memory_space<vmem>>)
      tpu.yield
    }) : () -> ()
    %iota3A = tpu.iota {dimensions = array<i32: 0>} : vector<16xi32>
    %mul3A_1 = arith.constant 157 : i32
    %mul3A_2 = arith.muli %add3A, %mul3A_1 : i32
    %add3A_3 = arith.constant 157 : i32
    %add3A_4 = arith.addi %mul3A_2, %add3A_3 : i32
    %min3A = arith.constant 5000 : i32
    %min3A_5 = arith.minsi %add3A_4, %min3A : i32
    %sub3A = arith.subi %min3A_5, %mul3A_2 : i32
    %scan3A = arith.constant 0 : i32
    %scan3A_6 = arith.constant 628 : i32
    %scan3A_7 = arith.addi %scan3A, %scan3A_6 : i32
    %scan3A_8 = arith.constant 1 : i32
    scf.for %scan3A_122 = %scan3A to %scan3A_7 step %scan3A_8  : i32 {
      %mul3A_123 = arith.constant 1 : i32
      %mul3A_124 = arith.muli %scan3A_122, %mul3A_123 : i32
      %add3A_125 = arith.constant 0 : i32
      %add3A_126 = arith.addi %add3A_125, %mul3A_124 : i32
      %mul3A_127 = arith.constant 16 : i32
      %mul3A_128 = arith.muli %add3A_126, %mul3A_127 : i32
      %get3A = arith.index_cast %mul3A_128 : i32 to index
      %get3A_129 = tpu.vector_load %arg9[%get3A] {strides = array<i32>} : memref<10048xf32, #tpu.memory_space<vmem>>, vector<16xf32>,
      %get3A_130 = arith.index_cast %mul3A_128 : i32 to index
      %get3A_131 = tpu.vector_load %arg10[%get3A_130] {strides = array<i32>} : memref<10048xf32, #tpu.memory_space<vmem>>, vector<16xf32>,
      %get3A_132 = arith.index_cast %mul3A_128 : i32 to index
      %get3A_133 = tpu.vector_load %arg11[%get3A_132] {strides = array<i32>} : memref<10048xf32, #tpu.memory_space<vmem>>, vector<16xf32>,
      %mul3A_134 = arith.mulf %get3A_129, %get3A_129 : vector<16xf32>
      %mul3A_135 = arith.mulf %get3A_131, %get3A_131 : vector<16xf32>
      %add3A_136 = arith.addf %mul3A_134, %mul3A_135 : vector<16xf32>
      %mul3A_137 = arith.mulf %get3A_133, %get3A_133 : vector<16xf32>
      %add3A_138 = arith.addf %add3A_136, %mul3A_137 : vector<16xf32>
      %swap3A = arith.index_cast %mul3A_128 : i32 to index
      %swap3A_139 = tpu.vector_load %arg15[%swap3A] {strides = array<i32>} : memref<10048xf32, #tpu.memory_space<vmem>>, vector<16xf32>,
      tpu.vector_store %arg15[%swap3A], %add3A_138 {strides = array<i32>} : memref<10048xf32, #tpu.memory_space<vmem>>, vector<16xf32>,
      %bitcast_convert_type3A = tpu.bitcast %get3A_129 : vector<16xf32> -> vector<16xi32>
      %add3A_140 = arith.constant 32767 : i32
      %add3A_141 = vector.broadcast %add3A_140 : i32 to vector<16xi32>
      %add3A_142 = arith.addi %bitcast_convert_type3A, %add3A_141 : vector<16xi32>
      %shift_right_logical3A = arith.constant 16 : i32
      %shift_right_logical3A_143 = vector.broadcast %shift_right_logical3A : i32 to vector<16xi32>
      %shift_right_logical3A_144 = arith.shrui %bitcast_convert_type3A, %shift_right_logical3A_143 : vector<16xi32>
      %and3A_145 = arith.constant 1 : i32
      %and3A_146 = vector.broadcast %and3A_145 : i32 to vector<16xi32>
      %and3A_147 = arith.andi %shift_right_logical3A_144, %and3A_146 : vector<16xi32>
      %add3A_148 = arith.addi %add3A_142, %and3A_147 : vector<16xi32>
      %and3A_149 = arith.constant -65536 : i32
      %and3A_150 = vector.broadcast %and3A_149 : i32 to vector<16xi32>
      %and3A_151 = arith.andi %add3A_148, %and3A_150 : vector<16xi32>
      %bitcast_convert_type3A_152 = tpu.bitcast %and3A_151 : vector<16xi32> -> vector<16xf32>
      %swap3A_153 = arith.index_cast %mul3A_128 : i32 to index
      %swap3A_154 = tpu.vector_load %arg12[%swap3A_153] {strides = array<i32>} : memref<10048xf32, #tpu.memory_space<vmem>>, vector<16xf32>,
      tpu.vector_store %arg12[%swap3A_153], %bitcast_convert_type3A_152 {strides = array<i32>} : memref<10048xf32, #tpu.memory_space<vmem>>, vector<16xf32>,
      %bitcast_convert_type3A_155 = tpu.bitcast %get3A_131 : vector<16xf32> -> vector<16xi32>
      %add3A_156 = arith.constant 32767 : i32
      %add3A_157 = vector.broadcast %add3A_156 : i32 to vector<16xi32>
      %add3A_158 = arith.addi %bitcast_convert_type3A_155, %add3A_157 : vector<16xi32>
      %shift_right_logical3A_159 = arith.constant 16 : i32
      %shift_right_logical3A_160 = vector.broadcast %shift_right_logical3A_159 : i32 to vector<16xi32>
      %shift_right_logical3A_161 = arith.shrui %bitcast_convert_type3A_155, %shift_right_logical3A_160 : vector<16xi32>
      %and3A_162 = arith.constant 1 : i32
      %and3A_163 = vector.broadcast %and3A_162 : i32 to vector<16xi32>
      %and3A_164 = arith.andi %shift_right_logical3A_161, %and3A_163 : vector<16xi32>
      %add3A_165 = arith.addi %add3A_158, %and3A_164 : vector<16xi32>
      %and3A_166 = arith.constant -65536 : i32
      %and3A_167 = vector.broadcast %and3A_166 : i32 to vector<16xi32>
      %and3A_168 = arith.andi %add3A_165, %and3A_167 : vector<16xi32>
      %bitcast_convert_type3A_169 = tpu.bitcast %and3A_168 : vector<16xi32> -> vector<16xf32>
      %swap3A_170 = arith.index_cast %mul3A_128 : i32 to index
      %swap3A_171 = tpu.vector_load %arg13[%swap3A_170] {strides = array<i32>} : memref<10048xf32, #tpu.memory_space<vmem>>, vector<16xf32>,
      tpu.vector_store %arg13[%swap3A_170], %bitcast_convert_type3A_169 {strides = array<i32>} : memref<10048xf32, #tpu.memory_space<vmem>>, vector<16xf32>,
      %bitcast_convert_type3A_172 = tpu.bitcast %get3A_133 : vector<16xf32> -> vector<16xi32>
      %add3A_173 = arith.constant 32767 : i32
      %add3A_174 = vector.broadcast %add3A_173 : i32 to vector<16xi32>
      %add3A_175 = arith.addi %bitcast_convert_type3A_172, %add3A_174 : vector<16xi32>
      %shift_right_logical3A_176 = arith.constant 16 : i32
      %shift_right_logical3A_177 = vector.broadcast %shift_right_logical3A_176 : i32 to vector<16xi32>
      %shift_right_logical3A_178 = arith.shrui %bitcast_convert_type3A_172, %shift_right_logical3A_177 : vector<16xi32>
      %and3A_179 = arith.constant 1 : i32
      %and3A_180 = vector.broadcast %and3A_179 : i32 to vector<16xi32>
      %and3A_181 = arith.andi %shift_right_logical3A_178, %and3A_180 : vector<16xi32>
      %add3A_182 = arith.addi %add3A_175, %and3A_181 : vector<16xi32>
      %and3A_183 = arith.constant -65536 : i32
      %and3A_184 = vector.broadcast %and3A_183 : i32 to vector<16xi32>
      %and3A_185 = arith.andi %add3A_182, %and3A_184 : vector<16xi32>
      %bitcast_convert_type3A_186 = tpu.bitcast %and3A_185 : vector<16xi32> -> vector<16xf32>
      %swap3A_187 = arith.index_cast %mul3A_128 : i32 to index
      %swap3A_188 = tpu.vector_load %arg14[%swap3A_187] {strides = array<i32>} : memref<10048xf32, #tpu.memory_space<vmem>>, vector<16xf32>,
      tpu.vector_store %arg14[%swap3A_187], %bitcast_convert_type3A_186 {strides = array<i32>} : memref<10048xf32, #tpu.memory_space<vmem>>, vector<16xf32>,
    }
    %scan3A_9 = arith.constant 628 : i32
    %scan3A_10 = arith.constant 0 : i32
    %scan3A_11 = arith.constant 79 : i32
    %scan3A_12 = arith.addi %scan3A_10, %scan3A_11 : i32
    %scan3A_13 = arith.constant 1 : i32
    scf.for %scan3A_122 = %scan3A_10 to %scan3A_12 step %scan3A_13  : i32 {
      %mul3A_123 = arith.constant 2 : i32
      %mul3A_124 = arith.muli %scan3A_122, %mul3A_123 : i32
      %add3A_125 = arith.constant 0 : i32
      %add3A_126 = arith.addi %add3A_125, %mul3A_124 : i32
      %add3A_127 = arith.addi %mul3A_2, %add3A_126 : i32
      %lt3A = arith.cmpi slt, %add3A_127, %min3A_5 : i32
      %convert_element_type3A = arith.extui %lt3A : i1 to i32
      %cond3A = arith.constant 0 : i32
      %cond3A_128 = arith.cmpi ne, %convert_element_type3A, %cond3A : i32
      scf.if %cond3A_128 {
        %sub3A_136 = arith.constant 2 : i32
        %sub3A_137 = arith.subi %add3A_127, %sub3A_136 : i32
        %ge3A = arith.constant 2 : i32
        %ge3A_138 = arith.cmpi sge, %add3A_126, %ge3A : i32
        %convert_element_type3A_139 = arith.extui %ge3A_138 : i1 to i32
        %cond3A_140 = arith.constant 0 : i32
        %cond3A_141 = arith.cmpi ne, %convert_element_type3A_139, %cond3A_140 : i32
        scf.if %cond3A_141 {
          %dma_wait3A_370 = arith.constant 0 : i32
          %dma_wait3A_371 = arith.constant 0 : i32
          %dma_wait3A_372 = tpu.memref_slice %arg6[%dma_wait3A_370, %dma_wait3A_371] : memref<10000x128xf32, #tpu.memory_space<hbm>> -> memref<10000x128xf32, #tpu.memory_space<hbm>>
          tpu.wait_indirect_dma semaphore(%arg25 : memref<!tpu.dma_semaphore, #tpu.memory_space<semaphore_mem>>) src(%dma_wait3A_372 : memref<10000x128xf32, #tpu.memory_space<hbm>>) dst(%arg21 : memref<64x128xf32, #tpu.memory_space<vmem>>)
          %mul3A_373 = arith.constant 64 : i32
          %mul3A_374 = arith.muli %sub3A_137, %mul3A_373 : i32
          %dma_start3A_375 = arith.constant 0 : i32
          %dma_start3A_376 = tpu.memref_slice %arg7[%mul3A_374, %dma_start3A_375] : memref<320000x128xf32, #tpu.memory_space<hbm>> -> memref<64x128xf32, #tpu.memory_space<hbm>>
          %dma_start3A_377 = arith.constant 0 : i32
          %dma_start3A_378 = tpu.memref_slice %arg7[%mul3A_374, %dma_start3A_377] : memref<320000x128xf32, #tpu.memory_space<hbm>> -> memref<64x128xf32, #tpu.memory_space<hbm>>
          tpu.enqueue_dma source(%arg21 : memref<64x128xf32, #tpu.memory_space<vmem>>) target(%dma_start3A_378 : memref<64x128xf32, #tpu.memory_space<hbm>>) target_semaphore(%arg29 : memref<!tpu.dma_semaphore, #tpu.memory_space<semaphore_mem>>)
          %dma_wait3A_379 = arith.constant 0 : i32
          %dma_wait3A_380 = arith.constant 0 : i32
          %dma_wait3A_381 = tpu.memref_slice %arg8[%sub3A_137, %dma_wait3A_379, %dma_wait3A_380] : memref<5000x4x64xf32, #tpu.memory_space<hbm>> -> memref<1x4x64xf32, #tpu.memory_space<hbm>>
          %dma_wait3A_382 = tpu.memref_squeeze %dma_wait3A_381 : memref<1x4x64xf32, #tpu.memory_space<hbm>> -> memref<4x64xf32, #tpu.memory_space<hbm>>
          %dma_wait3A_383 = arith.constant 0 : i32
          %dma_wait3A_384 = arith.constant 0 : i32
          %dma_wait3A_385 = tpu.memref_slice %arg8[%sub3A_137, %dma_wait3A_383, %dma_wait3A_384] : memref<5000x4x64xf32, #tpu.memory_space<hbm>> -> memref<1x4x64xf32, #tpu.memory_space<hbm>>
          %dma_wait3A_386 = tpu.memref_squeeze %dma_wait3A_385 : memref<1x4x64xf32, #tpu.memory_space<hbm>> -> memref<4x64xf32, #tpu.memory_space<hbm>>
          tpu.wait_dma2 semaphore(%arg27 : memref<!tpu.dma_semaphore, #tpu.memory_space<semaphore_mem>>) src(%arg23 : memref<4x64xf32, #tpu.memory_space<vmem>>) dst(%dma_wait3A_386 : memref<4x64xf32, #tpu.memory_space<hbm>>)
        } else {
        }
        %broadcast_in_dim3A = arith.constant 0 : i32
        %broadcast_in_dim3A_142 = vector.broadcast %broadcast_in_dim3A : i32 to vector<16xi32>
        %add3A_143 = vector.broadcast %add3A_127 : i32 to vector<16xi32>
        %add3A_144 = arith.addi %broadcast_in_dim3A_142, %add3A_143 : vector<16xi32>
        %gather3A = tpu.vector_load_idx %arg16[%add3A_144] : memref<5000xi32, #tpu.memory_space<vmem>>[vector<16xi32>], vector<16xi32>,
        %gather3A_145 = tpu.vector_load_idx %arg9[%gather3A] : memref<10048xf32, #tpu.memory_space<vmem>>[vector<16xi32>], vector<16xf32>,
        %gather3A_146 = tpu.vector_load_idx %arg10[%gather3A] : memref<10048xf32, #tpu.memory_space<vmem>>[vector<16xi32>], vector<16xf32>,
        %gather3A_147 = tpu.vector_load_idx %arg11[%gather3A] : memref<10048xf32, #tpu.memory_space<vmem>>[vector<16xi32>], vector<16xf32>,
        %mul3A_148 = arith.mulf %gather3A_145, %gather3A_145 : vector<16xf32>
        %mul3A_149 = arith.mulf %gather3A_146, %gather3A_146 : vector<16xf32>
        %add3A_150 = arith.addf %mul3A_148, %mul3A_149 : vector<16xf32>
        %mul3A_151 = arith.mulf %gather3A_147, %gather3A_147 : vector<16xf32>
        %add3A_152 = arith.addf %add3A_150, %mul3A_151 : vector<16xf32>
        %bitcast_convert_type3A = tpu.bitcast %gather3A_145 : vector<16xf32> -> vector<16xi32>
        %add3A_153 = arith.constant 32767 : i32
        %add3A_154 = vector.broadcast %add3A_153 : i32 to vector<16xi32>
        %add3A_155 = arith.addi %bitcast_convert_type3A, %add3A_154 : vector<16xi32>
        %shift_right_logical3A = arith.constant 16 : i32
        %shift_right_logical3A_156 = vector.broadcast %shift_right_logical3A : i32 to vector<16xi32>
        %shift_right_logical3A_157 = arith.shrui %bitcast_convert_type3A, %shift_right_logical3A_156 : vector<16xi32>
        %and3A_158 = arith.constant 1 : i32
        %and3A_159 = vector.broadcast %and3A_158 : i32 to vector<16xi32>
        %and3A_160 = arith.andi %shift_right_logical3A_157, %and3A_159 : vector<16xi32>
        %add3A_161 = arith.addi %add3A_155, %and3A_160 : vector<16xi32>
        %and3A_162 = arith.constant -65536 : i32
        %and3A_163 = vector.broadcast %and3A_162 : i32 to vector<16xi32>
        %and3A_164 = arith.andi %add3A_161, %and3A_163 : vector<16xi32>
        %bitcast_convert_type3A_165 = tpu.bitcast %and3A_164 : vector<16xi32> -> vector<16xf32>
        %bitcast_convert_type3A_166 = tpu.bitcast %gather3A_146 : vector<16xf32> -> vector<16xi32>
        %add3A_167 = arith.constant 32767 : i32
        %add3A_168 = vector.broadcast %add3A_167 : i32 to vector<16xi32>
        %add3A_169 = arith.addi %bitcast_convert_type3A_166, %add3A_168 : vector<16xi32>
        %shift_right_logical3A_170 = arith.constant 16 : i32
        %shift_right_logical3A_171 = vector.broadcast %shift_right_logical3A_170 : i32 to vector<16xi32>
        %shift_right_logical3A_172 = arith.shrui %bitcast_convert_type3A_166, %shift_right_logical3A_171 : vector<16xi32>
        %and3A_173 = arith.constant 1 : i32
        %and3A_174 = vector.broadcast %and3A_173 : i32 to vector<16xi32>
        %and3A_175 = arith.andi %shift_right_logical3A_172, %and3A_174 : vector<16xi32>
        %add3A_176 = arith.addi %add3A_169, %and3A_175 : vector<16xi32>
        %and3A_177 = arith.constant -65536 : i32
        %and3A_178 = vector.broadcast %and3A_177 : i32 to vector<16xi32>
        %and3A_179 = arith.andi %add3A_176, %and3A_178 : vector<16xi32>
        %bitcast_convert_type3A_180 = tpu.bitcast %and3A_179 : vector<16xi32> -> vector<16xf32>
        %bitcast_convert_type3A_181 = tpu.bitcast %gather3A_147 : vector<16xf32> -> vector<16xi32>
        %add3A_182 = arith.constant 32767 : i32
        %add3A_183 = vector.broadcast %add3A_182 : i32 to vector<16xi32>
        %add3A_184 = arith.addi %bitcast_convert_type3A_181, %add3A_183 : vector<16xi32>
        %shift_right_logical3A_185 = arith.constant 16 : i32
        %shift_right_logical3A_186 = vector.broadcast %shift_right_logical3A_185 : i32 to vector<16xi32>
        %shift_right_logical3A_187 = arith.shrui %bitcast_convert_type3A_181, %shift_right_logical3A_186 : vector<16xi32>
        %and3A_188 = arith.constant 1 : i32
        %and3A_189 = vector.broadcast %and3A_188 : i32 to vector<16xi32>
        %and3A_190 = arith.andi %shift_right_logical3A_187, %and3A_189 : vector<16xi32>
        %add3A_191 = arith.addi %add3A_184, %and3A_190 : vector<16xi32>
        %and3A_192 = arith.constant -65536 : i32
        %and3A_193 = vector.broadcast %and3A_192 : i32 to vector<16xi32>
        %and3A_194 = arith.andi %add3A_191, %and3A_193 : vector<16xi32>
        %bitcast_convert_type3A_195 = tpu.bitcast %and3A_194 : vector<16xi32> -> vector<16xf32>
        %while3A = arith.constant 0 : i32
        %while3A_196 = arith.constant 0 : i32
        %while3A_197:2 = scf.while (%while3A_370 = %while3A, %while3A_371 = %while3A_196) : (i32, i32) -> (i32, i32) {
          %lt3A_372 = arith.constant 628 : i32
          %lt3A_373 = arith.cmpi slt, %while3A_370, %lt3A_372 : i32
          %lt3A_374 = arith.constant 64 : i32
          %lt3A_375 = arith.cmpi slt, %while3A_371, %lt3A_374 : i32
          %and3A_376 = arith.andi %lt3A_373, %lt3A_375 : i1
          scf.condition(%and3A_376) %while3A_370, %while3A_371 : i32, i32
        } do {
        ^bb0(%while3A_370: i32, %while3A_371: i32):
          %mul3A_372 = arith.constant 16 : i32
          %mul3A_373 = arith.muli %while3A_370, %mul3A_372 : i32
          %get3A_374 = arith.index_cast %mul3A_373 : i32 to index
          %get3A_375 = tpu.vector_load %arg12[%get3A_374] {strides = array<i32>} : memref<10048xf32, #tpu.memory_space<vmem>>, vector<16xf32>,
          %mul3A_376 = arith.mulf %bitcast_convert_type3A_165, %get3A_375 : vector<16xf32>
          %get3A_377 = arith.index_cast %mul3A_373 : i32 to index
          %get3A_378 = tpu.vector_load %arg13[%get3A_377] {strides = array<i32>} : memref<10048xf32, #tpu.memory_space<vmem>>, vector<16xf32>,
          %mul3A_379 = arith.mulf %bitcast_convert_type3A_180, %get3A_378 : vector<16xf32>
          %add3A_380 = arith.addf %mul3A_376, %mul3A_379 : vector<16xf32>
          %get3A_381 = arith.index_cast %mul3A_373 : i32 to index
          %get3A_382 = tpu.vector_load %arg14[%get3A_381] {strides = array<i32>} : memref<10048xf32, #tpu.memory_space<vmem>>, vector<16xf32>,
          %mul3A_383 = arith.mulf %bitcast_convert_type3A_195, %get3A_382 : vector<16xf32>
          %add3A_384 = arith.addf %add3A_380, %mul3A_383 : vector<16xf32>
          %get3A_385 = arith.index_cast %mul3A_373 : i32 to index
          %get3A_386 = tpu.vector_load %arg15[%get3A_385] {strides = array<i32>} : memref<10048xf32, #tpu.memory_space<vmem>>, vector<16xf32>,
          %add3A_387 = arith.addf %add3A_152, %get3A_386 : vector<16xf32>
          %mul3A_388 = arith.constant 2.000000e+00 : f32
          %mul3A_389 = vector.broadcast %mul3A_388 : f32 to vector<16xf32>
          %mul3A_390 = arith.mulf %mul3A_389, %add3A_384 : vector<16xf32>
          %sub3A_391 = arith.subf %add3A_387, %mul3A_390 : vector<16xf32>
          %le3A = arith.constant 4.000000e-02 : f32
          %le3A_392 = vector.broadcast %le3A : f32 to vector<16xf32>
          %le3A_393 = arith.cmpf ole, %sub3A_391, %le3A_392 : vector<16xf32>
          %broadcast_in_dim3A_394 = arith.constant 1 : i32
          %broadcast_in_dim3A_395 = vector.broadcast %broadcast_in_dim3A_394 : i32 to vector<16xi32>
          %masked_cumsum3A = tpu.scan <sum>, %broadcast_in_dim3A_395 masked %le3A_393 : vector<16xi32>, vector<16xi1> -> vector<16xi32>
          %add3A_396 = vector.broadcast %while3A_371 : i32 to vector<16xi32>
          %add3A_397 = arith.addi %add3A_396, %masked_cumsum3A : vector<16xi32>
          %sub3A_398 = arith.constant 1 : i32
          %sub3A_399 = vector.broadcast %sub3A_398 : i32 to vector<16xi32>
          %sub3A_400 = arith.subi %add3A_397, %sub3A_399 : vector<16xi32>
          %lt3A_401 = arith.constant 128 : i32
          %lt3A_402 = vector.broadcast %lt3A_401 : i32 to vector<16xi32>
          %lt3A_403 = arith.cmpi slt, %sub3A_400, %lt3A_402 : vector<16xi32>
          %and3A_404 = arith.andi %le3A_393, %lt3A_403 : vector<16xi1>
          %add3A_405 = vector.broadcast %mul3A_373 : i32 to vector<16xi32>
          %add3A_406 = arith.addi %add3A_405, %iota3A : vector<16xi32>
          tpu.vector_store_idx %arg17[%sub3A_400], %add3A_406 masked %and3A_404 : memref<128xi32, #tpu.memory_space<vmem>>[vector<16xi32>], vector<16xi32>, vector<16xi1>
          %all_reduce_population_count3A = tpu.all_reduce %le3A_393 {dim = 0 : i64, kind = #tpu.reduction_kind<sum>} : vector<16xi1> -> vector<16xi32>
          %reduce_max3A = arith.constant true
          %reduce_max3A_407 = vector.broadcast %reduce_max3A : i1 to vector<16xi1>
          %reduce_max3A_408 = arith.constant -2147483648 : i32
          %reduce_max3A_409 = vector.broadcast %reduce_max3A_408 : i32 to vector<16xi32>
          %reduce_max3A_410 = arith.xori %all_reduce_population_count3A, %reduce_max3A_409 : vector<16xi32>
          %reduce_max3A_411 = tpu.scan <max>, %reduce_max3A_410 masked %reduce_max3A_407 : vector<16xi32>, vector<16xi1> -> vector<16xi32>
          %reduce_max3A_412 = arith.xori %reduce_max3A_411, %reduce_max3A_409 : vector<16xi32>
          %reduce_max3A_413 = vector.extract %reduce_max3A_412[15] : i32 from vector<16xi32>
          %add3A_414 = arith.addi %while3A_371, %reduce_max3A_413 : i32
          %mul3A_415 = arith.constant 16 : i32
          %mul3A_416 = arith.muli %while3A_370, %mul3A_415 : i32
          %add3A_417 = arith.constant 16 : i32
          %add3A_418 = arith.addi %mul3A_416, %add3A_417 : i32
          %get3A_419 = arith.index_cast %add3A_418 : i32 to index
          %get3A_420 = tpu.vector_load %arg12[%get3A_419] {strides = array<i32>} : memref<10048xf32, #tpu.memory_space<vmem>>, vector<16xf32>,
          %mul3A_421 = arith.mulf %bitcast_convert_type3A_165, %get3A_420 : vector<16xf32>
          %get3A_422 = arith.index_cast %add3A_418 : i32 to index
          %get3A_423 = tpu.vector_load %arg13[%get3A_422] {strides = array<i32>} : memref<10048xf32, #tpu.memory_space<vmem>>, vector<16xf32>,
          %mul3A_424 = arith.mulf %bitcast_convert_type3A_180, %get3A_423 : vector<16xf32>
          %add3A_425 = arith.addf %mul3A_421, %mul3A_424 : vector<16xf32>
          %get3A_426 = arith.index_cast %add3A_418 : i32 to index
          %get3A_427 = tpu.vector_load %arg14[%get3A_426] {strides = array<i32>} : memref<10048xf32, #tpu.memory_space<vmem>>, vector<16xf32>,
          %mul3A_428 = arith.mulf %bitcast_convert_type3A_195, %get3A_427 : vector<16xf32>
          %add3A_429 = arith.addf %add3A_425, %mul3A_428 : vector<16xf32>
          %get3A_430 = arith.index_cast %add3A_418 : i32 to index
          %get3A_431 = tpu.vector_load %arg15[%get3A_430] {strides = array<i32>} : memref<10048xf32, #tpu.memory_space<vmem>>, vector<16xf32>,
          %add3A_432 = arith.addf %add3A_152, %get3A_431 : vector<16xf32>
          %mul3A_433 = arith.constant 2.000000e+00 : f32
          %mul3A_434 = vector.broadcast %mul3A_433 : f32 to vector<16xf32>
          %mul3A_435 = arith.mulf %mul3A_434, %add3A_429 : vector<16xf32>
          %sub3A_436 = arith.subf %add3A_432, %mul3A_435 : vector<16xf32>
          %le3A_437 = arith.constant 4.000000e-02 : f32
          %le3A_438 = vector.broadcast %le3A_437 : f32 to vector<16xf32>
          %le3A_439 = arith.cmpf ole, %sub3A_436, %le3A_438 : vector<16xf32>
          %broadcast_in_dim3A_440 = arith.constant 1 : i32
          %broadcast_in_dim3A_441 = vector.broadcast %broadcast_in_dim3A_440 : i32 to vector<16xi32>
          %masked_cumsum3A_442 = tpu.scan <sum>, %broadcast_in_dim3A_441 masked %le3A_439 : vector<16xi32>, vector<16xi1> -> vector<16xi32>
          %add3A_443 = vector.broadcast %add3A_414 : i32 to vector<16xi32>
          %add3A_444 = arith.addi %add3A_443, %masked_cumsum3A_442 : vector<16xi32>
          %sub3A_445 = arith.constant 1 : i32
          %sub3A_446 = vector.broadcast %sub3A_445 : i32 to vector<16xi32>
          %sub3A_447 = arith.subi %add3A_444, %sub3A_446 : vector<16xi32>
          %lt3A_448 = arith.constant 128 : i32
          %lt3A_449 = vector.broadcast %lt3A_448 : i32 to vector<16xi32>
          %lt3A_450 = arith.cmpi slt, %sub3A_447, %lt3A_449 : vector<16xi32>
          %and3A_451 = arith.andi %le3A_439, %lt3A_450 : vector<16xi1>
          %add3A_452 = vector.broadcast %add3A_418 : i32 to vector<16xi32>
          %add3A_453 = arith.addi %add3A_452, %iota3A : vector<16xi32>
          tpu.vector_store_idx %arg17[%sub3A_447], %add3A_453 masked %and3A_451 : memref<128xi32, #tpu.memory_space<vmem>>[vector<16xi32>], vector<16xi32>, vector<16xi1>
          %all_reduce_population_count3A_454 = tpu.all_reduce %le3A_439 {dim = 0 : i64, kind = #tpu.reduction_kind<sum>} : vector<16xi1> -> vector<16xi32>
          %reduce_max3A_455 = arith.constant true
          %reduce_max3A_456 = vector.broadcast %reduce_max3A_455 : i1 to vector<16xi1>
          %reduce_max3A_457 = arith.constant -2147483648 : i32
          %reduce_max3A_458 = vector.broadcast %reduce_max3A_457 : i32 to vector<16xi32>
          %reduce_max3A_459 = arith.xori %all_reduce_population_count3A_454, %reduce_max3A_458 : vector<16xi32>
          %reduce_max3A_460 = tpu.scan <max>, %reduce_max3A_459 masked %reduce_max3A_456 : vector<16xi32>, vector<16xi1> -> vector<16xi32>
          %reduce_max3A_461 = arith.xori %reduce_max3A_460, %reduce_max3A_458 : vector<16xi32>
          %reduce_max3A_462 = vector.extract %reduce_max3A_461[15] : i32 from vector<16xi32>
          %add3A_463 = arith.addi %add3A_414, %reduce_max3A_462 : i32
          %mul3A_464 = arith.constant 16 : i32
          %mul3A_465 = arith.muli %while3A_370, %mul3A_464 : i32
          %add3A_466 = arith.constant 32 : i32
          %add3A_467 = arith.addi %mul3A_465, %add3A_466 : i32
          %get3A_468 = arith.index_cast %add3A_467 : i32 to index
          %get3A_469 = tpu.vector_load %arg12[%get3A_468] {strides = array<i32>} : memref<10048xf32, #tpu.memory_space<vmem>>, vector<16xf32>,
          %mul3A_470 = arith.mulf %bitcast_convert_type3A_165, %get3A_469 : vector<16xf32>
          %get3A_471 = arith.index_cast %add3A_467 : i32 to index
          %get3A_472 = tpu.vector_load %arg13[%get3A_471] {strides = array<i32>} : memref<10048xf32, #tpu.memory_space<vmem>>, vector<16xf32>,
          %mul3A_473 = arith.mulf %bitcast_convert_type3A_180, %get3A_472 : vector<16xf32>
          %add3A_474 = arith.addf %mul3A_470, %mul3A_473 : vector<16xf32>
          %get3A_475 = arith.index_cast %add3A_467 : i32 to index
          %get3A_476 = tpu.vector_load %arg14[%get3A_475] {strides = array<i32>} : memref<10048xf32, #tpu.memory_space<vmem>>, vector<16xf32>,
          %mul3A_477 = arith.mulf %bitcast_convert_type3A_195, %get3A_476 : vector<16xf32>
          %add3A_478 = arith.addf %add3A_474, %mul3A_477 : vector<16xf32>
          %get3A_479 = arith.index_cast %add3A_467 : i32 to index
          %get3A_480 = tpu.vector_load %arg15[%get3A_479] {strides = array<i32>} : memref<10048xf32, #tpu.memory_space<vmem>>, vector<16xf32>,
          %add3A_481 = arith.addf %add3A_152, %get3A_480 : vector<16xf32>
          %mul3A_482 = arith.constant 2.000000e+00 : f32
          %mul3A_483 = vector.broadcast %mul3A_482 : f32 to vector<16xf32>
          %mul3A_484 = arith.mulf %mul3A_483, %add3A_478 : vector<16xf32>
          %sub3A_485 = arith.subf %add3A_481, %mul3A_484 : vector<16xf32>
          %le3A_486 = arith.constant 4.000000e-02 : f32
          %le3A_487 = vector.broadcast %le3A_486 : f32 to vector<16xf32>
          %le3A_488 = arith.cmpf ole, %sub3A_485, %le3A_487 : vector<16xf32>
          %broadcast_in_dim3A_489 = arith.constant 1 : i32
          %broadcast_in_dim3A_490 = vector.broadcast %broadcast_in_dim3A_489 : i32 to vector<16xi32>
          %masked_cumsum3A_491 = tpu.scan <sum>, %broadcast_in_dim3A_490 masked %le3A_488 : vector<16xi32>, vector<16xi1> -> vector<16xi32>
          %add3A_492 = vector.broadcast %add3A_463 : i32 to vector<16xi32>
          %add3A_493 = arith.addi %add3A_492, %masked_cumsum3A_491 : vector<16xi32>
          %sub3A_494 = arith.constant 1 : i32
          %sub3A_495 = vector.broadcast %sub3A_494 : i32 to vector<16xi32>
          %sub3A_496 = arith.subi %add3A_493, %sub3A_495 : vector<16xi32>
          %lt3A_497 = arith.constant 128 : i32
          %lt3A_498 = vector.broadcast %lt3A_497 : i32 to vector<16xi32>
          %lt3A_499 = arith.cmpi slt, %sub3A_496, %lt3A_498 : vector<16xi32>
          %and3A_500 = arith.andi %le3A_488, %lt3A_499 : vector<16xi1>
          %add3A_501 = vector.broadcast %add3A_467 : i32 to vector<16xi32>
          %add3A_502 = arith.addi %add3A_501, %iota3A : vector<16xi32>
          tpu.vector_store_idx %arg17[%sub3A_496], %add3A_502 masked %and3A_500 : memref<128xi32, #tpu.memory_space<vmem>>[vector<16xi32>], vector<16xi32>, vector<16xi1>
          %all_reduce_population_count3A_503 = tpu.all_reduce %le3A_488 {dim = 0 : i64, kind = #tpu.reduction_kind<sum>} : vector<16xi1> -> vector<16xi32>
          %reduce_max3A_504 = arith.constant true
          %reduce_max3A_505 = vector.broadcast %reduce_max3A_504 : i1 to vector<16xi1>
          %reduce_max3A_506 = arith.constant -2147483648 : i32
          %reduce_max3A_507 = vector.broadcast %reduce_max3A_506 : i32 to vector<16xi32>
          %reduce_max3A_508 = arith.xori %all_reduce_population_count3A_503, %reduce_max3A_507 : vector<16xi32>
          %reduce_max3A_509 = tpu.scan <max>, %reduce_max3A_508 masked %reduce_max3A_505 : vector<16xi32>, vector<16xi1> -> vector<16xi32>
          %reduce_max3A_510 = arith.xori %reduce_max3A_509, %reduce_max3A_507 : vector<16xi32>
          %reduce_max3A_511 = vector.extract %reduce_max3A_510[15] : i32 from vector<16xi32>
          %add3A_512 = arith.addi %add3A_463, %reduce_max3A_511 : i32
          %mul3A_513 = arith.constant 16 : i32
          %mul3A_514 = arith.muli %while3A_370, %mul3A_513 : i32
          %add3A_515 = arith.constant 48 : i32
          %add3A_516 = arith.addi %mul3A_514, %add3A_515 : i32
          %get3A_517 = arith.index_cast %add3A_516 : i32 to index
          %get3A_518 = tpu.vector_load %arg12[%get3A_517] {strides = array<i32>} : memref<10048xf32, #tpu.memory_space<vmem>>, vector<16xf32>,
          %mul3A_519 = arith.mulf %bitcast_convert_type3A_165, %get3A_518 : vector<16xf32>
          %get3A_520 = arith.index_cast %add3A_516 : i32 to index
          %get3A_521 = tpu.vector_load %arg13[%get3A_520] {strides = array<i32>} : memref<10048xf32, #tpu.memory_space<vmem>>, vector<16xf32>,
          %mul3A_522 = arith.mulf %bitcast_convert_type3A_180, %get3A_521 : vector<16xf32>
          %add3A_523 = arith.addf %mul3A_519, %mul3A_522 : vector<16xf32>
          %get3A_524 = arith.index_cast %add3A_516 : i32 to index
          %get3A_525 = tpu.vector_load %arg14[%get3A_524] {strides = array<i32>} : memref<10048xf32, #tpu.memory_space<vmem>>, vector<16xf32>,
          %mul3A_526 = arith.mulf %bitcast_convert_type3A_195, %get3A_525 : vector<16xf32>
          %add3A_527 = arith.addf %add3A_523, %mul3A_526 : vector<16xf32>
          %get3A_528 = arith.index_cast %add3A_516 : i32 to index
          %get3A_529 = tpu.vector_load %arg15[%get3A_528] {strides = array<i32>} : memref<10048xf32, #tpu.memory_space<vmem>>, vector<16xf32>,
          %add3A_530 = arith.addf %add3A_152, %get3A_529 : vector<16xf32>
          %mul3A_531 = arith.constant 2.000000e+00 : f32
          %mul3A_532 = vector.broadcast %mul3A_531 : f32 to vector<16xf32>
          %mul3A_533 = arith.mulf %mul3A_532, %add3A_527 : vector<16xf32>
          %sub3A_534 = arith.subf %add3A_530, %mul3A_533 : vector<16xf32>
          %le3A_535 = arith.constant 4.000000e-02 : f32
          %le3A_536 = vector.broadcast %le3A_535 : f32 to vector<16xf32>
          %le3A_537 = arith.cmpf ole, %sub3A_534, %le3A_536 : vector<16xf32>
          %broadcast_in_dim3A_538 = arith.constant 1 : i32
          %broadcast_in_dim3A_539 = vector.broadcast %broadcast_in_dim3A_538 : i32 to vector<16xi32>
          %masked_cumsum3A_540 = tpu.scan <sum>, %broadcast_in_dim3A_539 masked %le3A_537 : vector<16xi32>, vector<16xi1> -> vector<16xi32>
          %add3A_541 = vector.broadcast %add3A_512 : i32 to vector<16xi32>
          %add3A_542 = arith.addi %add3A_541, %masked_cumsum3A_540 : vector<16xi32>
          %sub3A_543 = arith.constant 1 : i32
          %sub3A_544 = vector.broadcast %sub3A_543 : i32 to vector<16xi32>
          %sub3A_545 = arith.subi %add3A_542, %sub3A_544 : vector<16xi32>
          %lt3A_546 = arith.constant 128 : i32
          %lt3A_547 = vector.broadcast %lt3A_546 : i32 to vector<16xi32>
          %lt3A_548 = arith.cmpi slt, %sub3A_545, %lt3A_547 : vector<16xi32>
          %and3A_549 = arith.andi %le3A_537, %lt3A_548 : vector<16xi1>
          %add3A_550 = vector.broadcast %add3A_516 : i32 to vector<16xi32>
          %add3A_551 = arith.addi %add3A_550, %iota3A : vector<16xi32>
          tpu.vector_store_idx %arg17[%sub3A_545], %add3A_551 masked %and3A_549 : memref<128xi32, #tpu.memory_space<vmem>>[vector<16xi32>], vector<16xi32>, vector<16xi1>
          %all_reduce_population_count3A_552 = tpu.all_reduce %le3A_537 {dim = 0 : i64, kind = #tpu.reduction_kind<sum>} : vector<16xi1> -> vector<16xi32>
          %reduce_max3A_553 = arith.constant true
          %reduce_max3A_554 = vector.broadcast %reduce_max3A_553 : i1 to vector<16xi1>
          %reduce_max3A_555 = arith.constant -2147483648 : i32
          %reduce_max3A_556 = vector.broadcast %reduce_max3A_555 : i32 to vector<16xi32>
          %reduce_max3A_557 = arith.xori %all_reduce_population_count3A_552, %reduce_max3A_556 : vector<16xi32>
          %reduce_max3A_558 = tpu.scan <max>, %reduce_max3A_557 masked %reduce_max3A_554 : vector<16xi32>, vector<16xi1> -> vector<16xi32>
          %reduce_max3A_559 = arith.xori %reduce_max3A_558, %reduce_max3A_556 : vector<16xi32>
          %reduce_max3A_560 = vector.extract %reduce_max3A_559[15] : i32 from vector<16xi32>
          %add3A_561 = arith.addi %add3A_512, %reduce_max3A_560 : i32
          %add3A_562 = arith.constant 4 : i32
          %add3A_563 = arith.addi %while3A_370, %add3A_562 : i32
          scf.yield %add3A_563, %add3A_561 : i32, i32
        }
        %min3A_198 = arith.constant 64 : i32
        %min3A_199 = arith.minsi %while3A_197#1, %min3A_198 : i32
        %add3A_200 = arith.constant 0 : i32
        %add3A_201 = vector.broadcast %add3A_200 : i32 to vector<16xi32>
        %add3A_202 = arith.addi %add3A_201, %iota3A : vector<16xi32>
        %get3A = arith.constant 0 : index
        %get3A_203 = tpu.vector_load %arg17[%get3A] {strides = array<i32>} : memref<128xi32, #tpu.memory_space<vmem>>, vector<16xi32>,
        %lt3A_204 = vector.broadcast %min3A_199 : i32 to vector<16xi32>
        %lt3A_205 = arith.cmpi slt, %add3A_202, %lt3A_204 : vector<16xi32>
        %jit3A_206 = arith.constant 0 : i32
        %broadcast_in_dim3A_207 = vector.broadcast %jit3A_206 : i32 to vector<16xi32>
        %select_n3A_208 = arith.select %lt3A_205, %get3A_203, %broadcast_in_dim3A_207 : vector<16xi1>, vector<16xi32>
        %swap3A = arith.constant 0 : index
        %swap3A_209 = tpu.vector_load %arg19[%swap3A] {strides = array<i32>} : memref<64xi32, #tpu.memory_space<vmem>>, vector<16xi32>,
        tpu.vector_store %arg19[%swap3A], %select_n3A_208 {strides = array<i32>} : memref<64xi32, #tpu.memory_space<vmem>>, vector<16xi32>,
        %gather3A_210 = tpu.vector_load_idx %arg9[%select_n3A_208] : memref<10048xf32, #tpu.memory_space<vmem>>[vector<16xi32>], vector<16xf32>,
        %gather3A_211 = tpu.vector_load_idx %arg10[%select_n3A_208] : memref<10048xf32, #tpu.memory_space<vmem>>[vector<16xi32>], vector<16xf32>,
        %gather3A_212 = tpu.vector_load_idx %arg11[%select_n3A_208] : memref<10048xf32, #tpu.memory_space<vmem>>[vector<16xi32>], vector<16xf32>,
        %sub3A_213 = arith.subf %gather3A_210, %gather3A_145 : vector<16xf32>
        %swap3A_214 = arith.constant 0 : i32
        %swap3A_215 = arith.index_cast %swap3A_214 : i32 to index
        %swap3A_216 = arith.constant 0 : index
        %swap3A_217 = tpu.vector_load %arg23[%swap3A_215, %swap3A_216] {strides = array<i32>} : memref<4x64xf32, #tpu.memory_space<vmem>>, vector<16xf32>,
        tpu.vector_store %arg23[%swap3A_215, %swap3A_216], %sub3A_213 {strides = array<i32>} : memref<4x64xf32, #tpu.memory_space<vmem>>, vector<16xf32>,
        %sub3A_218 = arith.subf %gather3A_211, %gather3A_146 : vector<16xf32>
        %swap3A_219 = arith.constant 1 : i32
        %swap3A_220 = arith.index_cast %swap3A_219 : i32 to index
        %swap3A_221 = arith.constant 0 : index
        %swap3A_222 = tpu.vector_load %arg23[%swap3A_220, %swap3A_221] {strides = array<i32>} : memref<4x64xf32, #tpu.memory_space<vmem>>, vector<16xf32>,
        tpu.vector_store %arg23[%swap3A_220, %swap3A_221], %sub3A_218 {strides = array<i32>} : memref<4x64xf32, #tpu.memory_space<vmem>>, vector<16xf32>,
        %sub3A_223 = arith.subf %gather3A_212, %gather3A_147 : vector<16xf32>
        %swap3A_224 = arith.constant 2 : i32
        %swap3A_225 = arith.index_cast %swap3A_224 : i32 to index
        %swap3A_226 = arith.constant 0 : index
        %swap3A_227 = tpu.vector_load %arg23[%swap3A_225, %swap3A_226] {strides = array<i32>} : memref<4x64xf32, #tpu.memory_space<vmem>>, vector<16xf32>,
        tpu.vector_store %arg23[%swap3A_225, %swap3A_226], %sub3A_223 {strides = array<i32>} : memref<4x64xf32, #tpu.memory_space<vmem>>, vector<16xf32>,
        %jit3A_228 = arith.constant 1.000000e+00 : f32
        %jit3A_229 = arith.constant 0.000000e+00 : f32
        %broadcast_in_dim3A_230 = vector.broadcast %jit3A_228 : f32 to vector<16xf32>
        %broadcast_in_dim3A_231 = vector.broadcast %jit3A_229 : f32 to vector<16xf32>
        %select_n3A_232 = arith.select %lt3A_205, %broadcast_in_dim3A_230, %broadcast_in_dim3A_231 : vector<16xi1>, vector<16xf32>
        %swap3A_233 = arith.constant 3 : i32
        %swap3A_234 = arith.index_cast %swap3A_233 : i32 to index
        %swap3A_235 = arith.constant 0 : index
        %swap3A_236 = tpu.vector_load %arg23[%swap3A_234, %swap3A_235] {strides = array<i32>} : memref<4x64xf32, #tpu.memory_space<vmem>>, vector<16xf32>,
        tpu.vector_store %arg23[%swap3A_234, %swap3A_235], %select_n3A_232 {strides = array<i32>} : memref<4x64xf32, #tpu.memory_space<vmem>>, vector<16xf32>,
        %add3A_237 = arith.constant 16 : i32
        %add3A_238 = vector.broadcast %add3A_237 : i32 to vector<16xi32>
        %add3A_239 = arith.addi %add3A_238, %iota3A : vector<16xi32>
        %get3A_240 = arith.constant 16 : index
        %get3A_241 = tpu.vector_load %arg17[%get3A_240] {strides = array<i32>} : memref<128xi32, #tpu.memory_space<vmem>>, vector<16xi32>,
        %lt3A_242 = vector.broadcast %min3A_199 : i32 to vector<16xi32>
        %lt3A_243 = arith.cmpi slt, %add3A_239, %lt3A_242 : vector<16xi32>
        %jit3A_244 = arith.constant 0 : i32
        %broadcast_in_dim3A_245 = vector.broadcast %jit3A_244 : i32 to vector<16xi32>
        %select_n3A_246 = arith.select %lt3A_243, %get3A_241, %broadcast_in_dim3A_245 : vector<16xi1>, vector<16xi32>
        %swap3A_247 = arith.constant 16 : index
        %swap3A_248 = tpu.vector_load %arg19[%swap3A_247] {strides = array<i32>} : memref<64xi32, #tpu.memory_space<vmem>>, vector<16xi32>,
        tpu.vector_store %arg19[%swap3A_247], %select_n3A_246 {strides = array<i32>} : memref<64xi32, #tpu.memory_space<vmem>>, vector<16xi32>,
        %gather3A_249 = tpu.vector_load_idx %arg9[%select_n3A_246] : memref<10048xf32, #tpu.memory_space<vmem>>[vector<16xi32>], vector<16xf32>,
        %gather3A_250 = tpu.vector_load_idx %arg10[%select_n3A_246] : memref<10048xf32, #tpu.memory_space<vmem>>[vector<16xi32>], vector<16xf32>,
        %gather3A_251 = tpu.vector_load_idx %arg11[%select_n3A_246] : memref<10048xf32, #tpu.memory_space<vmem>>[vector<16xi32>], vector<16xf32>,
        %sub3A_252 = arith.subf %gather3A_249, %gather3A_145 : vector<16xf32>
        %swap3A_253 = arith.constant 0 : i32
        %swap3A_254 = arith.index_cast %swap3A_253 : i32 to index
        %swap3A_255 = arith.constant 16 : index
        %swap3A_256 = tpu.vector_load %arg23[%swap3A_254, %swap3A_255] {strides = array<i32>} : memref<4x64xf32, #tpu.memory_space<vmem>>, vector<16xf32>,
        tpu.vector_store %arg23[%swap3A_254, %swap3A_255], %sub3A_252 {strides = array<i32>} : memref<4x64xf32, #tpu.memory_space<vmem>>, vector<16xf32>,
        %sub3A_257 = arith.subf %gather3A_250, %gather3A_146 : vector<16xf32>
        %swap3A_258 = arith.constant 1 : i32
        %swap3A_259 = arith.index_cast %swap3A_258 : i32 to index
        %swap3A_260 = arith.constant 16 : index
        %swap3A_261 = tpu.vector_load %arg23[%swap3A_259, %swap3A_260] {strides = array<i32>} : memref<4x64xf32, #tpu.memory_space<vmem>>, vector<16xf32>,
        tpu.vector_store %arg23[%swap3A_259, %swap3A_260], %sub3A_257 {strides = array<i32>} : memref<4x64xf32, #tpu.memory_space<vmem>>, vector<16xf32>,
        %sub3A_262 = arith.subf %gather3A_251, %gather3A_147 : vector<16xf32>
        %swap3A_263 = arith.constant 2 : i32
        %swap3A_264 = arith.index_cast %swap3A_263 : i32 to index
        %swap3A_265 = arith.constant 16 : index
        %swap3A_266 = tpu.vector_load %arg23[%swap3A_264, %swap3A_265] {strides = array<i32>} : memref<4x64xf32, #tpu.memory_space<vmem>>, vector<16xf32>,
        tpu.vector_store %arg23[%swap3A_264, %swap3A_265], %sub3A_262 {strides = array<i32>} : memref<4x64xf32, #tpu.memory_space<vmem>>, vector<16xf32>,
        %jit3A_267 = arith.constant 1.000000e+00 : f32
        %jit3A_268 = arith.constant 0.000000e+00 : f32
        %broadcast_in_dim3A_269 = vector.broadcast %jit3A_267 : f32 to vector<16xf32>
        %broadcast_in_dim3A_270 = vector.broadcast %jit3A_268 : f32 to vector<16xf32>
        %select_n3A_271 = arith.select %lt3A_243, %broadcast_in_dim3A_269, %broadcast_in_dim3A_270 : vector<16xi1>, vector<16xf32>
        %swap3A_272 = arith.constant 3 : i32
        %swap3A_273 = arith.index_cast %swap3A_272 : i32 to index
        %swap3A_274 = arith.constant 16 : index
        %swap3A_275 = tpu.vector_load %arg23[%swap3A_273, %swap3A_274] {strides = array<i32>} : memref<4x64xf32, #tpu.memory_space<vmem>>, vector<16xf32>,
        tpu.vector_store %arg23[%swap3A_273, %swap3A_274], %select_n3A_271 {strides = array<i32>} : memref<4x64xf32, #tpu.memory_space<vmem>>, vector<16xf32>,
        %add3A_276 = arith.constant 32 : i32
        %add3A_277 = vector.broadcast %add3A_276 : i32 to vector<16xi32>
        %add3A_278 = arith.addi %add3A_277, %iota3A : vector<16xi32>
        %get3A_279 = arith.constant 32 : index
        %get3A_280 = tpu.vector_load %arg17[%get3A_279] {strides = array<i32>} : memref<128xi32, #tpu.memory_space<vmem>>, vector<16xi32>,
        %lt3A_281 = vector.broadcast %min3A_199 : i32 to vector<16xi32>
        %lt3A_282 = arith.cmpi slt, %add3A_278, %lt3A_281 : vector<16xi32>
        %jit3A_283 = arith.constant 0 : i32
        %broadcast_in_dim3A_284 = vector.broadcast %jit3A_283 : i32 to vector<16xi32>
        %select_n3A_285 = arith.select %lt3A_282, %get3A_280, %broadcast_in_dim3A_284 : vector<16xi1>, vector<16xi32>
        %swap3A_286 = arith.constant 32 : index
        %swap3A_287 = tpu.vector_load %arg19[%swap3A_286] {strides = array<i32>} : memref<64xi32, #tpu.memory_space<vmem>>, vector<16xi32>,
        tpu.vector_store %arg19[%swap3A_286], %select_n3A_285 {strides = array<i32>} : memref<64xi32, #tpu.memory_space<vmem>>, vector<16xi32>,
        %gather3A_288 = tpu.vector_load_idx %arg9[%select_n3A_285] : memref<10048xf32, #tpu.memory_space<vmem>>[vector<16xi32>], vector<16xf32>,
        %gather3A_289 = tpu.vector_load_idx %arg10[%select_n3A_285] : memref<10048xf32, #tpu.memory_space<vmem>>[vector<16xi32>], vector<16xf32>,
        %gather3A_290 = tpu.vector_load_idx %arg11[%select_n3A_285] : memref<10048xf32, #tpu.memory_space<vmem>>[vector<16xi32>], vector<16xf32>,
        %sub3A_291 = arith.subf %gather3A_288, %gather3A_145 : vector<16xf32>
        %swap3A_292 = arith.constant 0 : i32
        %swap3A_293 = arith.index_cast %swap3A_292 : i32 to index
        %swap3A_294 = arith.constant 32 : index
        %swap3A_295 = tpu.vector_load %arg23[%swap3A_293, %swap3A_294] {strides = array<i32>} : memref<4x64xf32, #tpu.memory_space<vmem>>, vector<16xf32>,
        tpu.vector_store %arg23[%swap3A_293, %swap3A_294], %sub3A_291 {strides = array<i32>} : memref<4x64xf32, #tpu.memory_space<vmem>>, vector<16xf32>,
        %sub3A_296 = arith.subf %gather3A_289, %gather3A_146 : vector<16xf32>
        %swap3A_297 = arith.constant 1 : i32
        %swap3A_298 = arith.index_cast %swap3A_297 : i32 to index
        %swap3A_299 = arith.constant 32 : index
        %swap3A_300 = tpu.vector_load %arg23[%swap3A_298, %swap3A_299] {strides = array<i32>} : memref<4x64xf32, #tpu.memory_space<vmem>>, vector<16xf32>,
        tpu.vector_store %arg23[%swap3A_298, %swap3A_299], %sub3A_296 {strides = array<i32>} : memref<4x64xf32, #tpu.memory_space<vmem>>, vector<16xf32>,
        %sub3A_301 = arith.subf %gather3A_290, %gather3A_147 : vector<16xf32>
        %swap3A_302 = arith.constant 2 : i32
        %swap3A_303 = arith.index_cast %swap3A_302 : i32 to index
        %swap3A_304 = arith.constant 32 : index
        %swap3A_305 = tpu.vector_load %arg23[%swap3A_303, %swap3A_304] {strides = array<i32>} : memref<4x64xf32, #tpu.memory_space<vmem>>, vector<16xf32>,
        tpu.vector_store %arg23[%swap3A_303, %swap3A_304], %sub3A_301 {strides = array<i32>} : memref<4x64xf32, #tpu.memory_space<vmem>>, vector<16xf32>,
        %jit3A_306 = arith.constant 1.000000e+00 : f32
        %jit3A_307 = arith.constant 0.000000e+00 : f32
        %broadcast_in_dim3A_308 = vector.broadcast %jit3A_306 : f32 to vector<16xf32>
        %broadcast_in_dim3A_309 = vector.broadcast %jit3A_307 : f32 to vector<16xf32>
        %select_n3A_310 = arith.select %lt3A_282, %broadcast_in_dim3A_308, %broadcast_in_dim3A_309 : vector<16xi1>, vector<16xf32>
        %swap3A_311 = arith.constant 3 : i32
        %swap3A_312 = arith.index_cast %swap3A_311 : i32 to index
        %swap3A_313 = arith.constant 32 : index
        %swap3A_314 = tpu.vector_load %arg23[%swap3A_312, %swap3A_313] {strides = array<i32>} : memref<4x64xf32, #tpu.memory_space<vmem>>, vector<16xf32>,
        tpu.vector_store %arg23[%swap3A_312, %swap3A_313], %select_n3A_310 {strides = array<i32>} : memref<4x64xf32, #tpu.memory_space<vmem>>, vector<16xf32>,
        %add3A_315 = arith.constant 48 : i32
        %add3A_316 = vector.broadcast %add3A_315 : i32 to vector<16xi32>
        %add3A_317 = arith.addi %add3A_316, %iota3A : vector<16xi32>
        %get3A_318 = arith.constant 48 : index
        %get3A_319 = tpu.vector_load %arg17[%get3A_318] {strides = array<i32>} : memref<128xi32, #tpu.memory_space<vmem>>, vector<16xi32>,
        %lt3A_320 = vector.broadcast %min3A_199 : i32 to vector<16xi32>
        %lt3A_321 = arith.cmpi slt, %add3A_317, %lt3A_320 : vector<16xi32>
        %jit3A_322 = arith.constant 0 : i32
        %broadcast_in_dim3A_323 = vector.broadcast %jit3A_322 : i32 to vector<16xi32>
        %select_n3A_324 = arith.select %lt3A_321, %get3A_319, %broadcast_in_dim3A_323 : vector<16xi1>, vector<16xi32>
        %swap3A_325 = arith.constant 48 : index
        %swap3A_326 = tpu.vector_load %arg19[%swap3A_325] {strides = array<i32>} : memref<64xi32, #tpu.memory_space<vmem>>, vector<16xi32>,
        tpu.vector_store %arg19[%swap3A_325], %select_n3A_324 {strides = array<i32>} : memref<64xi32, #tpu.memory_space<vmem>>, vector<16xi32>,
        %gather3A_327 = tpu.vector_load_idx %arg9[%select_n3A_324] : memref<10048xf32, #tpu.memory_space<vmem>>[vector<16xi32>], vector<16xf32>,
        %gather3A_328 = tpu.vector_load_idx %arg10[%select_n3A_324] : memref<10048xf32, #tpu.memory_space<vmem>>[vector<16xi32>], vector<16xf32>,
        %gather3A_329 = tpu.vector_load_idx %arg11[%select_n3A_324] : memref<10048xf32, #tpu.memory_space<vmem>>[vector<16xi32>], vector<16xf32>,
        %sub3A_330 = arith.subf %gather3A_327, %gather3A_145 : vector<16xf32>
        %swap3A_331 = arith.constant 0 : i32
        %swap3A_332 = arith.index_cast %swap3A_331 : i32 to index
        %swap3A_333 = arith.constant 48 : index
        %swap3A_334 = tpu.vector_load %arg23[%swap3A_332, %swap3A_333] {strides = array<i32>} : memref<4x64xf32, #tpu.memory_space<vmem>>, vector<16xf32>,
        tpu.vector_store %arg23[%swap3A_332, %swap3A_333], %sub3A_330 {strides = array<i32>} : memref<4x64xf32, #tpu.memory_space<vmem>>, vector<16xf32>,
        %sub3A_335 = arith.subf %gather3A_328, %gather3A_146 : vector<16xf32>
        %swap3A_336 = arith.constant 1 : i32
        %swap3A_337 = arith.index_cast %swap3A_336 : i32 to index
        %swap3A_338 = arith.constant 48 : index
        %swap3A_339 = tpu.vector_load %arg23[%swap3A_337, %swap3A_338] {strides = array<i32>} : memref<4x64xf32, #tpu.memory_space<vmem>>, vector<16xf32>,
        tpu.vector_store %arg23[%swap3A_337, %swap3A_338], %sub3A_335 {strides = array<i32>} : memref<4x64xf32, #tpu.memory_space<vmem>>, vector<16xf32>,
        %sub3A_340 = arith.subf %gather3A_329, %gather3A_147 : vector<16xf32>
        %swap3A_341 = arith.constant 2 : i32
        %swap3A_342 = arith.index_cast %swap3A_341 : i32 to index
        %swap3A_343 = arith.constant 48 : index
        %swap3A_344 = tpu.vector_load %arg23[%swap3A_342, %swap3A_343] {strides = array<i32>} : memref<4x64xf32, #tpu.memory_space<vmem>>, vector<16xf32>,
        tpu.vector_store %arg23[%swap3A_342, %swap3A_343], %sub3A_340 {strides = array<i32>} : memref<4x64xf32, #tpu.memory_space<vmem>>, vector<16xf32>,
        %jit3A_345 = arith.constant 1.000000e+00 : f32
        %jit3A_346 = arith.constant 0.000000e+00 : f32
        %broadcast_in_dim3A_347 = vector.broadcast %jit3A_345 : f32 to vector<16xf32>
        %broadcast_in_dim3A_348 = vector.broadcast %jit3A_346 : f32 to vector<16xf32>
        %select_n3A_349 = arith.select %lt3A_321, %broadcast_in_dim3A_347, %broadcast_in_dim3A_348 : vector<16xi1>, vector<16xf32>
        %swap3A_350 = arith.constant 3 : i32
        %swap3A_351 = arith.index_cast %swap3A_350 : i32 to index
        %swap3A_352 = arith.constant 48 : index
        %swap3A_353 = tpu.vector_load %arg23[%swap3A_351, %swap3A_352] {strides = array<i32>} : memref<4x64xf32, #tpu.memory_space<vmem>>, vector<16xf32>,
        tpu.vector_store %arg23[%swap3A_351, %swap3A_352], %select_n3A_349 {strides = array<i32>} : memref<4x64xf32, #tpu.memory_space<vmem>>, vector<16xf32>,
        %ge3A_354 = arith.constant 2 : i32
        %ge3A_355 = arith.cmpi sge, %add3A_126, %ge3A_354 : i32
        %convert_element_type3A_356 = arith.extui %ge3A_355 : i1 to i32
        %cond3A_357 = arith.constant 0 : i32
        %cond3A_358 = arith.cmpi ne, %convert_element_type3A_356, %cond3A_357 : i32
        scf.if %cond3A_358 {
          %mul3A_370 = arith.constant 64 : i32
          %mul3A_371 = arith.muli %sub3A_137, %mul3A_370 : i32
          %dma_wait3A_372 = arith.constant 0 : i32
          %dma_wait3A_373 = tpu.memref_slice %arg7[%mul3A_371, %dma_wait3A_372] : memref<320000x128xf32, #tpu.memory_space<hbm>> -> memref<64x128xf32, #tpu.memory_space<hbm>>
          %dma_wait3A_374 = arith.constant 0 : i32
          %dma_wait3A_375 = tpu.memref_slice %arg7[%mul3A_371, %dma_wait3A_374] : memref<320000x128xf32, #tpu.memory_space<hbm>> -> memref<64x128xf32, #tpu.memory_space<hbm>>
          tpu.wait_dma2 semaphore(%arg29 : memref<!tpu.dma_semaphore, #tpu.memory_space<semaphore_mem>>) src(%arg21 : memref<64x128xf32, #tpu.memory_space<vmem>>) dst(%dma_wait3A_375 : memref<64x128xf32, #tpu.memory_space<hbm>>)
        } else {
        }
        %dma_start3A_359 = arith.constant 0 : i32
        %dma_start3A_360 = arith.constant 0 : i32
        %dma_start3A_361 = tpu.memref_slice %arg6[%dma_start3A_359, %dma_start3A_360] : memref<10000x128xf32, #tpu.memory_space<hbm>> -> memref<10000x128xf32, #tpu.memory_space<hbm>>
        tpu.enqueue_indirect_dma source(%dma_start3A_361 : memref<10000x128xf32, #tpu.memory_space<hbm>>) target(%arg21 : memref<64x128xf32, #tpu.memory_space<vmem>>) offsets(%arg19 : memref<64xi32, #tpu.memory_space<vmem>>) semaphore(%arg25 : memref<!tpu.dma_semaphore, #tpu.memory_space<semaphore_mem>>)
        %dma_start3A_362 = arith.constant 0 : i32
        %dma_start3A_363 = arith.constant 0 : i32
        %dma_start3A_364 = tpu.memref_slice %arg8[%add3A_127, %dma_start3A_362, %dma_start3A_363] : memref<5000x4x64xf32, #tpu.memory_space<hbm>> -> memref<1x4x64xf32, #tpu.memory_space<hbm>>
        %dma_start3A_365 = tpu.memref_squeeze %dma_start3A_364 : memref<1x4x64xf32, #tpu.memory_space<hbm>> -> memref<4x64xf32, #tpu.memory_space<hbm>>
        %dma_start3A_366 = arith.constant 0 : i32
        %dma_start3A_367 = arith.constant 0 : i32
        %dma_start3A_368 = tpu.memref_slice %arg8[%add3A_127, %dma_start3A_366, %dma_start3A_367] : memref<5000x4x64xf32, #tpu.memory_space<hbm>> -> memref<1x4x64xf32, #tpu.memory_space<hbm>>
        %dma_start3A_369 = tpu.memref_squeeze %dma_start3A_368 : memref<1x4x64xf32, #tpu.memory_space<hbm>> -> memref<4x64xf32, #tpu.memory_space<hbm>>
        tpu.enqueue_dma source(%arg23 : memref<4x64xf32, #tpu.memory_space<vmem>>) target(%dma_start3A_369 : memref<4x64xf32, #tpu.memory_space<hbm>>) target_semaphore(%arg27 : memref<!tpu.dma_semaphore, #tpu.memory_space<semaphore_mem>>)
      } else {
      }
      %add3A_129 = arith.constant 1 : i32
      %add3A_130 = arith.addi %add3A_126, %add3A_129 : i32
      %add3A_131 = arith.addi %mul3A_2, %add3A_130 : i32
      %lt3A_132 = arith.cmpi slt, %add3A_131, %min3A_5 : i32
      %convert_element_type3A_133 = arith.extui %lt3A_132 : i1 to i32
      %cond3A_134 = arith.constant 0 : i32
      %cond3A_135 = arith.cmpi ne, %convert_element_type3A_133, %cond3A_134 : i32
      scf.if %cond3A_135 {
        %sub3A_136 = arith.constant 2 : i32
        %sub3A_137 = arith.subi %add3A_131, %sub3A_136 : i32
        %ge3A = arith.constant 2 : i32
        %ge3A_138 = arith.cmpi sge, %add3A_130, %ge3A : i32
        %convert_element_type3A_139 = arith.extui %ge3A_138 : i1 to i32
        %cond3A_140 = arith.constant 0 : i32
        %cond3A_141 = arith.cmpi ne, %convert_element_type3A_139, %cond3A_140 : i32
        scf.if %cond3A_141 {
          %dma_wait3A_370 = arith.constant 0 : i32
          %dma_wait3A_371 = arith.constant 0 : i32
          %dma_wait3A_372 = tpu.memref_slice %arg6[%dma_wait3A_370, %dma_wait3A_371] : memref<10000x128xf32, #tpu.memory_space<hbm>> -> memref<10000x128xf32, #tpu.memory_space<hbm>>
          tpu.wait_indirect_dma semaphore(%arg26 : memref<!tpu.dma_semaphore, #tpu.memory_space<semaphore_mem>>) src(%dma_wait3A_372 : memref<10000x128xf32, #tpu.memory_space<hbm>>) dst(%arg22 : memref<64x128xf32, #tpu.memory_space<vmem>>)
          %mul3A_373 = arith.constant 64 : i32
          %mul3A_374 = arith.muli %sub3A_137, %mul3A_373 : i32
          %dma_start3A_375 = arith.constant 0 : i32
          %dma_start3A_376 = tpu.memref_slice %arg7[%mul3A_374, %dma_start3A_375] : memref<320000x128xf32, #tpu.memory_space<hbm>> -> memref<64x128xf32, #tpu.memory_space<hbm>>
          %dma_start3A_377 = arith.constant 0 : i32
          %dma_start3A_378 = tpu.memref_slice %arg7[%mul3A_374, %dma_start3A_377] : memref<320000x128xf32, #tpu.memory_space<hbm>> -> memref<64x128xf32, #tpu.memory_space<hbm>>
          tpu.enqueue_dma source(%arg22 : memref<64x128xf32, #tpu.memory_space<vmem>>) target(%dma_start3A_378 : memref<64x128xf32, #tpu.memory_space<hbm>>) target_semaphore(%arg30 : memref<!tpu.dma_semaphore, #tpu.memory_space<semaphore_mem>>)
          %dma_wait3A_379 = arith.constant 0 : i32
          %dma_wait3A_380 = arith.constant 0 : i32
          %dma_wait3A_381 = tpu.memref_slice %arg8[%sub3A_137, %dma_wait3A_379, %dma_wait3A_380] : memref<5000x4x64xf32, #tpu.memory_space<hbm>> -> memref<1x4x64xf32, #tpu.memory_space<hbm>>
          %dma_wait3A_382 = tpu.memref_squeeze %dma_wait3A_381 : memref<1x4x64xf32, #tpu.memory_space<hbm>> -> memref<4x64xf32, #tpu.memory_space<hbm>>
          %dma_wait3A_383 = arith.constant 0 : i32
          %dma_wait3A_384 = arith.constant 0 : i32
          %dma_wait3A_385 = tpu.memref_slice %arg8[%sub3A_137, %dma_wait3A_383, %dma_wait3A_384] : memref<5000x4x64xf32, #tpu.memory_space<hbm>> -> memref<1x4x64xf32, #tpu.memory_space<hbm>>
          %dma_wait3A_386 = tpu.memref_squeeze %dma_wait3A_385 : memref<1x4x64xf32, #tpu.memory_space<hbm>> -> memref<4x64xf32, #tpu.memory_space<hbm>>
          tpu.wait_dma2 semaphore(%arg28 : memref<!tpu.dma_semaphore, #tpu.memory_space<semaphore_mem>>) src(%arg24 : memref<4x64xf32, #tpu.memory_space<vmem>>) dst(%dma_wait3A_386 : memref<4x64xf32, #tpu.memory_space<hbm>>)
        } else {
        }
        %broadcast_in_dim3A = arith.constant 0 : i32
        %broadcast_in_dim3A_142 = vector.broadcast %broadcast_in_dim3A : i32 to vector<16xi32>
        %add3A_143 = vector.broadcast %add3A_131 : i32 to vector<16xi32>
        %add3A_144 = arith.addi %broadcast_in_dim3A_142, %add3A_143 : vector<16xi32>
        %gather3A = tpu.vector_load_idx %arg16[%add3A_144] : memref<5000xi32, #tpu.memory_space<vmem>>[vector<16xi32>], vector<16xi32>,
        %gather3A_145 = tpu.vector_load_idx %arg9[%gather3A] : memref<10048xf32, #tpu.memory_space<vmem>>[vector<16xi32>], vector<16xf32>,
        %gather3A_146 = tpu.vector_load_idx %arg10[%gather3A] : memref<10048xf32, #tpu.memory_space<vmem>>[vector<16xi32>], vector<16xf32>,
        %gather3A_147 = tpu.vector_load_idx %arg11[%gather3A] : memref<10048xf32, #tpu.memory_space<vmem>>[vector<16xi32>], vector<16xf32>,
        %mul3A_148 = arith.mulf %gather3A_145, %gather3A_145 : vector<16xf32>
        %mul3A_149 = arith.mulf %gather3A_146, %gather3A_146 : vector<16xf32>
        %add3A_150 = arith.addf %mul3A_148, %mul3A_149 : vector<16xf32>
        %mul3A_151 = arith.mulf %gather3A_147, %gather3A_147 : vector<16xf32>
        %add3A_152 = arith.addf %add3A_150, %mul3A_151 : vector<16xf32>
        %bitcast_convert_type3A = tpu.bitcast %gather3A_145 : vector<16xf32> -> vector<16xi32>
        %add3A_153 = arith.constant 32767 : i32
        %add3A_154 = vector.broadcast %add3A_153 : i32 to vector<16xi32>
        %add3A_155 = arith.addi %bitcast_convert_type3A, %add3A_154 : vector<16xi32>
        %shift_right_logical3A = arith.constant 16 : i32
        %shift_right_logical3A_156 = vector.broadcast %shift_right_logical3A : i32 to vector<16xi32>
        %shift_right_logical3A_157 = arith.shrui %bitcast_convert_type3A, %shift_right_logical3A_156 : vector<16xi32>
        %and3A_158 = arith.constant 1 : i32
        %and3A_159 = vector.broadcast %and3A_158 : i32 to vector<16xi32>
        %and3A_160 = arith.andi %shift_right_logical3A_157, %and3A_159 : vector<16xi32>
        %add3A_161 = arith.addi %add3A_155, %and3A_160 : vector<16xi32>
        %and3A_162 = arith.constant -65536 : i32
        %and3A_163 = vector.broadcast %and3A_162 : i32 to vector<16xi32>
        %and3A_164 = arith.andi %add3A_161, %and3A_163 : vector<16xi32>
        %bitcast_convert_type3A_165 = tpu.bitcast %and3A_164 : vector<16xi32> -> vector<16xf32>
        %bitcast_convert_type3A_166 = tpu.bitcast %gather3A_146 : vector<16xf32> -> vector<16xi32>
        %add3A_167 = arith.constant 32767 : i32
        %add3A_168 = vector.broadcast %add3A_167 : i32 to vector<16xi32>
        %add3A_169 = arith.addi %bitcast_convert_type3A_166, %add3A_168 : vector<16xi32>
        %shift_right_logical3A_170 = arith.constant 16 : i32
        %shift_right_logical3A_171 = vector.broadcast %shift_right_logical3A_170 : i32 to vector<16xi32>
        %shift_right_logical3A_172 = arith.shrui %bitcast_convert_type3A_166, %shift_right_logical3A_171 : vector<16xi32>
        %and3A_173 = arith.constant 1 : i32
        %and3A_174 = vector.broadcast %and3A_173 : i32 to vector<16xi32>
        %and3A_175 = arith.andi %shift_right_logical3A_172, %and3A_174 : vector<16xi32>
        %add3A_176 = arith.addi %add3A_169, %and3A_175 : vector<16xi32>
        %and3A_177 = arith.constant -65536 : i32
        %and3A_178 = vector.broadcast %and3A_177 : i32 to vector<16xi32>
        %and3A_179 = arith.andi %add3A_176, %and3A_178 : vector<16xi32>
        %bitcast_convert_type3A_180 = tpu.bitcast %and3A_179 : vector<16xi32> -> vector<16xf32>
        %bitcast_convert_type3A_181 = tpu.bitcast %gather3A_147 : vector<16xf32> -> vector<16xi32>
        %add3A_182 = arith.constant 32767 : i32
        %add3A_183 = vector.broadcast %add3A_182 : i32 to vector<16xi32>
        %add3A_184 = arith.addi %bitcast_convert_type3A_181, %add3A_183 : vector<16xi32>
        %shift_right_logical3A_185 = arith.constant 16 : i32
        %shift_right_logical3A_186 = vector.broadcast %shift_right_logical3A_185 : i32 to vector<16xi32>
        %shift_right_logical3A_187 = arith.shrui %bitcast_convert_type3A_181, %shift_right_logical3A_186 : vector<16xi32>
        %and3A_188 = arith.constant 1 : i32
        %and3A_189 = vector.broadcast %and3A_188 : i32 to vector<16xi32>
        %and3A_190 = arith.andi %shift_right_logical3A_187, %and3A_189 : vector<16xi32>
        %add3A_191 = arith.addi %add3A_184, %and3A_190 : vector<16xi32>
        %and3A_192 = arith.constant -65536 : i32
        %and3A_193 = vector.broadcast %and3A_192 : i32 to vector<16xi32>
        %and3A_194 = arith.andi %add3A_191, %and3A_193 : vector<16xi32>
        %bitcast_convert_type3A_195 = tpu.bitcast %and3A_194 : vector<16xi32> -> vector<16xf32>
        %while3A = arith.constant 0 : i32
        %while3A_196 = arith.constant 0 : i32
        %while3A_197:2 = scf.while (%while3A_370 = %while3A, %while3A_371 = %while3A_196) : (i32, i32) -> (i32, i32) {
          %lt3A_372 = arith.constant 628 : i32
          %lt3A_373 = arith.cmpi slt, %while3A_370, %lt3A_372 : i32
          %lt3A_374 = arith.constant 64 : i32
          %lt3A_375 = arith.cmpi slt, %while3A_371, %lt3A_374 : i32
          %and3A_376 = arith.andi %lt3A_373, %lt3A_375 : i1
          scf.condition(%and3A_376) %while3A_370, %while3A_371 : i32, i32
        } do {
        ^bb0(%while3A_370: i32, %while3A_371: i32):
          %mul3A_372 = arith.constant 16 : i32
          %mul3A_373 = arith.muli %while3A_370, %mul3A_372 : i32
          %get3A_374 = arith.index_cast %mul3A_373 : i32 to index
          %get3A_375 = tpu.vector_load %arg12[%get3A_374] {strides = array<i32>} : memref<10048xf32, #tpu.memory_space<vmem>>, vector<16xf32>,
          %mul3A_376 = arith.mulf %bitcast_convert_type3A_165, %get3A_375 : vector<16xf32>
          %get3A_377 = arith.index_cast %mul3A_373 : i32 to index
          %get3A_378 = tpu.vector_load %arg13[%get3A_377] {strides = array<i32>} : memref<10048xf32, #tpu.memory_space<vmem>>, vector<16xf32>,
          %mul3A_379 = arith.mulf %bitcast_convert_type3A_180, %get3A_378 : vector<16xf32>
          %add3A_380 = arith.addf %mul3A_376, %mul3A_379 : vector<16xf32>
          %get3A_381 = arith.index_cast %mul3A_373 : i32 to index
          %get3A_382 = tpu.vector_load %arg14[%get3A_381] {strides = array<i32>} : memref<10048xf32, #tpu.memory_space<vmem>>, vector<16xf32>,
          %mul3A_383 = arith.mulf %bitcast_convert_type3A_195, %get3A_382 : vector<16xf32>
          %add3A_384 = arith.addf %add3A_380, %mul3A_383 : vector<16xf32>
          %get3A_385 = arith.index_cast %mul3A_373 : i32 to index
          %get3A_386 = tpu.vector_load %arg15[%get3A_385] {strides = array<i32>} : memref<10048xf32, #tpu.memory_space<vmem>>, vector<16xf32>,
          %add3A_387 = arith.addf %add3A_152, %get3A_386 : vector<16xf32>
          %mul3A_388 = arith.constant 2.000000e+00 : f32
          %mul3A_389 = vector.broadcast %mul3A_388 : f32 to vector<16xf32>
          %mul3A_390 = arith.mulf %mul3A_389, %add3A_384 : vector<16xf32>
          %sub3A_391 = arith.subf %add3A_387, %mul3A_390 : vector<16xf32>
          %le3A = arith.constant 4.000000e-02 : f32
          %le3A_392 = vector.broadcast %le3A : f32 to vector<16xf32>
          %le3A_393 = arith.cmpf ole, %sub3A_391, %le3A_392 : vector<16xf32>
          %broadcast_in_dim3A_394 = arith.constant 1 : i32
          %broadcast_in_dim3A_395 = vector.broadcast %broadcast_in_dim3A_394 : i32 to vector<16xi32>
          %masked_cumsum3A = tpu.scan <sum>, %broadcast_in_dim3A_395 masked %le3A_393 : vector<16xi32>, vector<16xi1> -> vector<16xi32>
          %add3A_396 = vector.broadcast %while3A_371 : i32 to vector<16xi32>
          %add3A_397 = arith.addi %add3A_396, %masked_cumsum3A : vector<16xi32>
          %sub3A_398 = arith.constant 1 : i32
          %sub3A_399 = vector.broadcast %sub3A_398 : i32 to vector<16xi32>
          %sub3A_400 = arith.subi %add3A_397, %sub3A_399 : vector<16xi32>
          %lt3A_401 = arith.constant 128 : i32
          %lt3A_402 = vector.broadcast %lt3A_401 : i32 to vector<16xi32>
          %lt3A_403 = arith.cmpi slt, %sub3A_400, %lt3A_402 : vector<16xi32>
          %and3A_404 = arith.andi %le3A_393, %lt3A_403 : vector<16xi1>
          %add3A_405 = vector.broadcast %mul3A_373 : i32 to vector<16xi32>
          %add3A_406 = arith.addi %add3A_405, %iota3A : vector<16xi32>
          tpu.vector_store_idx %arg18[%sub3A_400], %add3A_406 masked %and3A_404 : memref<128xi32, #tpu.memory_space<vmem>>[vector<16xi32>], vector<16xi32>, vector<16xi1>
          %all_reduce_population_count3A = tpu.all_reduce %le3A_393 {dim = 0 : i64, kind = #tpu.reduction_kind<sum>} : vector<16xi1> -> vector<16xi32>
          %reduce_max3A = arith.constant true
          %reduce_max3A_407 = vector.broadcast %reduce_max3A : i1 to vector<16xi1>
          %reduce_max3A_408 = arith.constant -2147483648 : i32
          %reduce_max3A_409 = vector.broadcast %reduce_max3A_408 : i32 to vector<16xi32>
          %reduce_max3A_410 = arith.xori %all_reduce_population_count3A, %reduce_max3A_409 : vector<16xi32>
          %reduce_max3A_411 = tpu.scan <max>, %reduce_max3A_410 masked %reduce_max3A_407 : vector<16xi32>, vector<16xi1> -> vector<16xi32>
          %reduce_max3A_412 = arith.xori %reduce_max3A_411, %reduce_max3A_409 : vector<16xi32>
          %reduce_max3A_413 = vector.extract %reduce_max3A_412[15] : i32 from vector<16xi32>
          %add3A_414 = arith.addi %while3A_371, %reduce_max3A_413 : i32
          %mul3A_415 = arith.constant 16 : i32
          %mul3A_416 = arith.muli %while3A_370, %mul3A_415 : i32
          %add3A_417 = arith.constant 16 : i32
          %add3A_418 = arith.addi %mul3A_416, %add3A_417 : i32
          %get3A_419 = arith.index_cast %add3A_418 : i32 to index
          %get3A_420 = tpu.vector_load %arg12[%get3A_419] {strides = array<i32>} : memref<10048xf32, #tpu.memory_space<vmem>>, vector<16xf32>,
          %mul3A_421 = arith.mulf %bitcast_convert_type3A_165, %get3A_420 : vector<16xf32>
          %get3A_422 = arith.index_cast %add3A_418 : i32 to index
          %get3A_423 = tpu.vector_load %arg13[%get3A_422] {strides = array<i32>} : memref<10048xf32, #tpu.memory_space<vmem>>, vector<16xf32>,
          %mul3A_424 = arith.mulf %bitcast_convert_type3A_180, %get3A_423 : vector<16xf32>
          %add3A_425 = arith.addf %mul3A_421, %mul3A_424 : vector<16xf32>
          %get3A_426 = arith.index_cast %add3A_418 : i32 to index
          %get3A_427 = tpu.vector_load %arg14[%get3A_426] {strides = array<i32>} : memref<10048xf32, #tpu.memory_space<vmem>>, vector<16xf32>,
          %mul3A_428 = arith.mulf %bitcast_convert_type3A_195, %get3A_427 : vector<16xf32>
          %add3A_429 = arith.addf %add3A_425, %mul3A_428 : vector<16xf32>
          %get3A_430 = arith.index_cast %add3A_418 : i32 to index
          %get3A_431 = tpu.vector_load %arg15[%get3A_430] {strides = array<i32>} : memref<10048xf32, #tpu.memory_space<vmem>>, vector<16xf32>,
          %add3A_432 = arith.addf %add3A_152, %get3A_431 : vector<16xf32>
          %mul3A_433 = arith.constant 2.000000e+00 : f32
          %mul3A_434 = vector.broadcast %mul3A_433 : f32 to vector<16xf32>
          %mul3A_435 = arith.mulf %mul3A_434, %add3A_429 : vector<16xf32>
          %sub3A_436 = arith.subf %add3A_432, %mul3A_435 : vector<16xf32>
          %le3A_437 = arith.constant 4.000000e-02 : f32
          %le3A_438 = vector.broadcast %le3A_437 : f32 to vector<16xf32>
          %le3A_439 = arith.cmpf ole, %sub3A_436, %le3A_438 : vector<16xf32>
          %broadcast_in_dim3A_440 = arith.constant 1 : i32
          %broadcast_in_dim3A_441 = vector.broadcast %broadcast_in_dim3A_440 : i32 to vector<16xi32>
          %masked_cumsum3A_442 = tpu.scan <sum>, %broadcast_in_dim3A_441 masked %le3A_439 : vector<16xi32>, vector<16xi1> -> vector<16xi32>
          %add3A_443 = vector.broadcast %add3A_414 : i32 to vector<16xi32>
          %add3A_444 = arith.addi %add3A_443, %masked_cumsum3A_442 : vector<16xi32>
          %sub3A_445 = arith.constant 1 : i32
          %sub3A_446 = vector.broadcast %sub3A_445 : i32 to vector<16xi32>
          %sub3A_447 = arith.subi %add3A_444, %sub3A_446 : vector<16xi32>
          %lt3A_448 = arith.constant 128 : i32
          %lt3A_449 = vector.broadcast %lt3A_448 : i32 to vector<16xi32>
          %lt3A_450 = arith.cmpi slt, %sub3A_447, %lt3A_449 : vector<16xi32>
          %and3A_451 = arith.andi %le3A_439, %lt3A_450 : vector<16xi1>
          %add3A_452 = vector.broadcast %add3A_418 : i32 to vector<16xi32>
          %add3A_453 = arith.addi %add3A_452, %iota3A : vector<16xi32>
          tpu.vector_store_idx %arg18[%sub3A_447], %add3A_453 masked %and3A_451 : memref<128xi32, #tpu.memory_space<vmem>>[vector<16xi32>], vector<16xi32>, vector<16xi1>
          %all_reduce_population_count3A_454 = tpu.all_reduce %le3A_439 {dim = 0 : i64, kind = #tpu.reduction_kind<sum>} : vector<16xi1> -> vector<16xi32>
          %reduce_max3A_455 = arith.constant true
          %reduce_max3A_456 = vector.broadcast %reduce_max3A_455 : i1 to vector<16xi1>
          %reduce_max3A_457 = arith.constant -2147483648 : i32
          %reduce_max3A_458 = vector.broadcast %reduce_max3A_457 : i32 to vector<16xi32>
          %reduce_max3A_459 = arith.xori %all_reduce_population_count3A_454, %reduce_max3A_458 : vector<16xi32>
          %reduce_max3A_460 = tpu.scan <max>, %reduce_max3A_459 masked %reduce_max3A_456 : vector<16xi32>, vector<16xi1> -> vector<16xi32>
          %reduce_max3A_461 = arith.xori %reduce_max3A_460, %reduce_max3A_458 : vector<16xi32>
          %reduce_max3A_462 = vector.extract %reduce_max3A_461[15] : i32 from vector<16xi32>
          %add3A_463 = arith.addi %add3A_414, %reduce_max3A_462 : i32
          %mul3A_464 = arith.constant 16 : i32
          %mul3A_465 = arith.muli %while3A_370, %mul3A_464 : i32
          %add3A_466 = arith.constant 32 : i32
          %add3A_467 = arith.addi %mul3A_465, %add3A_466 : i32
          %get3A_468 = arith.index_cast %add3A_467 : i32 to index
          %get3A_469 = tpu.vector_load %arg12[%get3A_468] {strides = array<i32>} : memref<10048xf32, #tpu.memory_space<vmem>>, vector<16xf32>,
          %mul3A_470 = arith.mulf %bitcast_convert_type3A_165, %get3A_469 : vector<16xf32>
          %get3A_471 = arith.index_cast %add3A_467 : i32 to index
          %get3A_472 = tpu.vector_load %arg13[%get3A_471] {strides = array<i32>} : memref<10048xf32, #tpu.memory_space<vmem>>, vector<16xf32>,
          %mul3A_473 = arith.mulf %bitcast_convert_type3A_180, %get3A_472 : vector<16xf32>
          %add3A_474 = arith.addf %mul3A_470, %mul3A_473 : vector<16xf32>
          %get3A_475 = arith.index_cast %add3A_467 : i32 to index
          %get3A_476 = tpu.vector_load %arg14[%get3A_475] {strides = array<i32>} : memref<10048xf32, #tpu.memory_space<vmem>>, vector<16xf32>,
          %mul3A_477 = arith.mulf %bitcast_convert_type3A_195, %get3A_476 : vector<16xf32>
          %add3A_478 = arith.addf %add3A_474, %mul3A_477 : vector<16xf32>
          %get3A_479 = arith.index_cast %add3A_467 : i32 to index
          %get3A_480 = tpu.vector_load %arg15[%get3A_479] {strides = array<i32>} : memref<10048xf32, #tpu.memory_space<vmem>>, vector<16xf32>,
          %add3A_481 = arith.addf %add3A_152, %get3A_480 : vector<16xf32>
          %mul3A_482 = arith.constant 2.000000e+00 : f32
          %mul3A_483 = vector.broadcast %mul3A_482 : f32 to vector<16xf32>
          %mul3A_484 = arith.mulf %mul3A_483, %add3A_478 : vector<16xf32>
          %sub3A_485 = arith.subf %add3A_481, %mul3A_484 : vector<16xf32>
          %le3A_486 = arith.constant 4.000000e-02 : f32
          %le3A_487 = vector.broadcast %le3A_486 : f32 to vector<16xf32>
          %le3A_488 = arith.cmpf ole, %sub3A_485, %le3A_487 : vector<16xf32>
          %broadcast_in_dim3A_489 = arith.constant 1 : i32
          %broadcast_in_dim3A_490 = vector.broadcast %broadcast_in_dim3A_489 : i32 to vector<16xi32>
          %masked_cumsum3A_491 = tpu.scan <sum>, %broadcast_in_dim3A_490 masked %le3A_488 : vector<16xi32>, vector<16xi1> -> vector<16xi32>
          %add3A_492 = vector.broadcast %add3A_463 : i32 to vector<16xi32>
          %add3A_493 = arith.addi %add3A_492, %masked_cumsum3A_491 : vector<16xi32>
          %sub3A_494 = arith.constant 1 : i32
          %sub3A_495 = vector.broadcast %sub3A_494 : i32 to vector<16xi32>
          %sub3A_496 = arith.subi %add3A_493, %sub3A_495 : vector<16xi32>
          %lt3A_497 = arith.constant 128 : i32
          %lt3A_498 = vector.broadcast %lt3A_497 : i32 to vector<16xi32>
          %lt3A_499 = arith.cmpi slt, %sub3A_496, %lt3A_498 : vector<16xi32>
          %and3A_500 = arith.andi %le3A_488, %lt3A_499 : vector<16xi1>
          %add3A_501 = vector.broadcast %add3A_467 : i32 to vector<16xi32>
          %add3A_502 = arith.addi %add3A_501, %iota3A : vector<16xi32>
          tpu.vector_store_idx %arg18[%sub3A_496], %add3A_502 masked %and3A_500 : memref<128xi32, #tpu.memory_space<vmem>>[vector<16xi32>], vector<16xi32>, vector<16xi1>
          %all_reduce_population_count3A_503 = tpu.all_reduce %le3A_488 {dim = 0 : i64, kind = #tpu.reduction_kind<sum>} : vector<16xi1> -> vector<16xi32>
          %reduce_max3A_504 = arith.constant true
          %reduce_max3A_505 = vector.broadcast %reduce_max3A_504 : i1 to vector<16xi1>
          %reduce_max3A_506 = arith.constant -2147483648 : i32
          %reduce_max3A_507 = vector.broadcast %reduce_max3A_506 : i32 to vector<16xi32>
          %reduce_max3A_508 = arith.xori %all_reduce_population_count3A_503, %reduce_max3A_507 : vector<16xi32>
          %reduce_max3A_509 = tpu.scan <max>, %reduce_max3A_508 masked %reduce_max3A_505 : vector<16xi32>, vector<16xi1> -> vector<16xi32>
          %reduce_max3A_510 = arith.xori %reduce_max3A_509, %reduce_max3A_507 : vector<16xi32>
          %reduce_max3A_511 = vector.extract %reduce_max3A_510[15] : i32 from vector<16xi32>
          %add3A_512 = arith.addi %add3A_463, %reduce_max3A_511 : i32
          %mul3A_513 = arith.constant 16 : i32
          %mul3A_514 = arith.muli %while3A_370, %mul3A_513 : i32
          %add3A_515 = arith.constant 48 : i32
          %add3A_516 = arith.addi %mul3A_514, %add3A_515 : i32
          %get3A_517 = arith.index_cast %add3A_516 : i32 to index
          %get3A_518 = tpu.vector_load %arg12[%get3A_517] {strides = array<i32>} : memref<10048xf32, #tpu.memory_space<vmem>>, vector<16xf32>,
          %mul3A_519 = arith.mulf %bitcast_convert_type3A_165, %get3A_518 : vector<16xf32>
          %get3A_520 = arith.index_cast %add3A_516 : i32 to index
          %get3A_521 = tpu.vector_load %arg13[%get3A_520] {strides = array<i32>} : memref<10048xf32, #tpu.memory_space<vmem>>, vector<16xf32>,
          %mul3A_522 = arith.mulf %bitcast_convert_type3A_180, %get3A_521 : vector<16xf32>
          %add3A_523 = arith.addf %mul3A_519, %mul3A_522 : vector<16xf32>
          %get3A_524 = arith.index_cast %add3A_516 : i32 to index
          %get3A_525 = tpu.vector_load %arg14[%get3A_524] {strides = array<i32>} : memref<10048xf32, #tpu.memory_space<vmem>>, vector<16xf32>,
          %mul3A_526 = arith.mulf %bitcast_convert_type3A_195, %get3A_525 : vector<16xf32>
          %add3A_527 = arith.addf %add3A_523, %mul3A_526 : vector<16xf32>
          %get3A_528 = arith.index_cast %add3A_516 : i32 to index
          %get3A_529 = tpu.vector_load %arg15[%get3A_528] {strides = array<i32>} : memref<10048xf32, #tpu.memory_space<vmem>>, vector<16xf32>,
          %add3A_530 = arith.addf %add3A_152, %get3A_529 : vector<16xf32>
          %mul3A_531 = arith.constant 2.000000e+00 : f32
          %mul3A_532 = vector.broadcast %mul3A_531 : f32 to vector<16xf32>
          %mul3A_533 = arith.mulf %mul3A_532, %add3A_527 : vector<16xf32>
          %sub3A_534 = arith.subf %add3A_530, %mul3A_533 : vector<16xf32>
          %le3A_535 = arith.constant 4.000000e-02 : f32
          %le3A_536 = vector.broadcast %le3A_535 : f32 to vector<16xf32>
          %le3A_537 = arith.cmpf ole, %sub3A_534, %le3A_536 : vector<16xf32>
          %broadcast_in_dim3A_538 = arith.constant 1 : i32
          %broadcast_in_dim3A_539 = vector.broadcast %broadcast_in_dim3A_538 : i32 to vector<16xi32>
          %masked_cumsum3A_540 = tpu.scan <sum>, %broadcast_in_dim3A_539 masked %le3A_537 : vector<16xi32>, vector<16xi1> -> vector<16xi32>
          %add3A_541 = vector.broadcast %add3A_512 : i32 to vector<16xi32>
          %add3A_542 = arith.addi %add3A_541, %masked_cumsum3A_540 : vector<16xi32>
          %sub3A_543 = arith.constant 1 : i32
          %sub3A_544 = vector.broadcast %sub3A_543 : i32 to vector<16xi32>
          %sub3A_545 = arith.subi %add3A_542, %sub3A_544 : vector<16xi32>
          %lt3A_546 = arith.constant 128 : i32
          %lt3A_547 = vector.broadcast %lt3A_546 : i32 to vector<16xi32>
          %lt3A_548 = arith.cmpi slt, %sub3A_545, %lt3A_547 : vector<16xi32>
          %and3A_549 = arith.andi %le3A_537, %lt3A_548 : vector<16xi1>
          %add3A_550 = vector.broadcast %add3A_516 : i32 to vector<16xi32>
          %add3A_551 = arith.addi %add3A_550, %iota3A : vector<16xi32>
          tpu.vector_store_idx %arg18[%sub3A_545], %add3A_551 masked %and3A_549 : memref<128xi32, #tpu.memory_space<vmem>>[vector<16xi32>], vector<16xi32>, vector<16xi1>
          %all_reduce_population_count3A_552 = tpu.all_reduce %le3A_537 {dim = 0 : i64, kind = #tpu.reduction_kind<sum>} : vector<16xi1> -> vector<16xi32>
          %reduce_max3A_553 = arith.constant true
          %reduce_max3A_554 = vector.broadcast %reduce_max3A_553 : i1 to vector<16xi1>
          %reduce_max3A_555 = arith.constant -2147483648 : i32
          %reduce_max3A_556 = vector.broadcast %reduce_max3A_555 : i32 to vector<16xi32>
          %reduce_max3A_557 = arith.xori %all_reduce_population_count3A_552, %reduce_max3A_556 : vector<16xi32>
          %reduce_max3A_558 = tpu.scan <max>, %reduce_max3A_557 masked %reduce_max3A_554 : vector<16xi32>, vector<16xi1> -> vector<16xi32>
          %reduce_max3A_559 = arith.xori %reduce_max3A_558, %reduce_max3A_556 : vector<16xi32>
          %reduce_max3A_560 = vector.extract %reduce_max3A_559[15] : i32 from vector<16xi32>
          %add3A_561 = arith.addi %add3A_512, %reduce_max3A_560 : i32
          %add3A_562 = arith.constant 4 : i32
          %add3A_563 = arith.addi %while3A_370, %add3A_562 : i32
          scf.yield %add3A_563, %add3A_561 : i32, i32
        }
        %min3A_198 = arith.constant 64 : i32
        %min3A_199 = arith.minsi %while3A_197#1, %min3A_198 : i32
        %add3A_200 = arith.constant 0 : i32
        %add3A_201 = vector.broadcast %add3A_200 : i32 to vector<16xi32>
        %add3A_202 = arith.addi %add3A_201, %iota3A : vector<16xi32>
        %get3A = arith.constant 0 : index
        %get3A_203 = tpu.vector_load %arg18[%get3A] {strides = array<i32>} : memref<128xi32, #tpu.memory_space<vmem>>, vector<16xi32>,
        %lt3A_204 = vector.broadcast %min3A_199 : i32 to vector<16xi32>
        %lt3A_205 = arith.cmpi slt, %add3A_202, %lt3A_204 : vector<16xi32>
        %jit3A_206 = arith.constant 0 : i32
        %broadcast_in_dim3A_207 = vector.broadcast %jit3A_206 : i32 to vector<16xi32>
        %select_n3A_208 = arith.select %lt3A_205, %get3A_203, %broadcast_in_dim3A_207 : vector<16xi1>, vector<16xi32>
        %swap3A = arith.constant 0 : index
        %swap3A_209 = tpu.vector_load %arg20[%swap3A] {strides = array<i32>} : memref<64xi32, #tpu.memory_space<vmem>>, vector<16xi32>,
        tpu.vector_store %arg20[%swap3A], %select_n3A_208 {strides = array<i32>} : memref<64xi32, #tpu.memory_space<vmem>>, vector<16xi32>,
        %gather3A_210 = tpu.vector_load_idx %arg9[%select_n3A_208] : memref<10048xf32, #tpu.memory_space<vmem>>[vector<16xi32>], vector<16xf32>,
        %gather3A_211 = tpu.vector_load_idx %arg10[%select_n3A_208] : memref<10048xf32, #tpu.memory_space<vmem>>[vector<16xi32>], vector<16xf32>,
        %gather3A_212 = tpu.vector_load_idx %arg11[%select_n3A_208] : memref<10048xf32, #tpu.memory_space<vmem>>[vector<16xi32>], vector<16xf32>,
        %sub3A_213 = arith.subf %gather3A_210, %gather3A_145 : vector<16xf32>
        %swap3A_214 = arith.constant 0 : i32
        %swap3A_215 = arith.index_cast %swap3A_214 : i32 to index
        %swap3A_216 = arith.constant 0 : index
        %swap3A_217 = tpu.vector_load %arg24[%swap3A_215, %swap3A_216] {strides = array<i32>} : memref<4x64xf32, #tpu.memory_space<vmem>>, vector<16xf32>,
        tpu.vector_store %arg24[%swap3A_215, %swap3A_216], %sub3A_213 {strides = array<i32>} : memref<4x64xf32, #tpu.memory_space<vmem>>, vector<16xf32>,
        %sub3A_218 = arith.subf %gather3A_211, %gather3A_146 : vector<16xf32>
        %swap3A_219 = arith.constant 1 : i32
        %swap3A_220 = arith.index_cast %swap3A_219 : i32 to index
        %swap3A_221 = arith.constant 0 : index
        %swap3A_222 = tpu.vector_load %arg24[%swap3A_220, %swap3A_221] {strides = array<i32>} : memref<4x64xf32, #tpu.memory_space<vmem>>, vector<16xf32>,
        tpu.vector_store %arg24[%swap3A_220, %swap3A_221], %sub3A_218 {strides = array<i32>} : memref<4x64xf32, #tpu.memory_space<vmem>>, vector<16xf32>,
        %sub3A_223 = arith.subf %gather3A_212, %gather3A_147 : vector<16xf32>
        %swap3A_224 = arith.constant 2 : i32
        %swap3A_225 = arith.index_cast %swap3A_224 : i32 to index
        %swap3A_226 = arith.constant 0 : index
        %swap3A_227 = tpu.vector_load %arg24[%swap3A_225, %swap3A_226] {strides = array<i32>} : memref<4x64xf32, #tpu.memory_space<vmem>>, vector<16xf32>,
        tpu.vector_store %arg24[%swap3A_225, %swap3A_226], %sub3A_223 {strides = array<i32>} : memref<4x64xf32, #tpu.memory_space<vmem>>, vector<16xf32>,
        %jit3A_228 = arith.constant 1.000000e+00 : f32
        %jit3A_229 = arith.constant 0.000000e+00 : f32
        %broadcast_in_dim3A_230 = vector.broadcast %jit3A_228 : f32 to vector<16xf32>
        %broadcast_in_dim3A_231 = vector.broadcast %jit3A_229 : f32 to vector<16xf32>
        %select_n3A_232 = arith.select %lt3A_205, %broadcast_in_dim3A_230, %broadcast_in_dim3A_231 : vector<16xi1>, vector<16xf32>
        %swap3A_233 = arith.constant 3 : i32
        %swap3A_234 = arith.index_cast %swap3A_233 : i32 to index
        %swap3A_235 = arith.constant 0 : index
        %swap3A_236 = tpu.vector_load %arg24[%swap3A_234, %swap3A_235] {strides = array<i32>} : memref<4x64xf32, #tpu.memory_space<vmem>>, vector<16xf32>,
        tpu.vector_store %arg24[%swap3A_234, %swap3A_235], %select_n3A_232 {strides = array<i32>} : memref<4x64xf32, #tpu.memory_space<vmem>>, vector<16xf32>,
        %add3A_237 = arith.constant 16 : i32
        %add3A_238 = vector.broadcast %add3A_237 : i32 to vector<16xi32>
        %add3A_239 = arith.addi %add3A_238, %iota3A : vector<16xi32>
        %get3A_240 = arith.constant 16 : index
        %get3A_241 = tpu.vector_load %arg18[%get3A_240] {strides = array<i32>} : memref<128xi32, #tpu.memory_space<vmem>>, vector<16xi32>,
        %lt3A_242 = vector.broadcast %min3A_199 : i32 to vector<16xi32>
        %lt3A_243 = arith.cmpi slt, %add3A_239, %lt3A_242 : vector<16xi32>
        %jit3A_244 = arith.constant 0 : i32
        %broadcast_in_dim3A_245 = vector.broadcast %jit3A_244 : i32 to vector<16xi32>
        %select_n3A_246 = arith.select %lt3A_243, %get3A_241, %broadcast_in_dim3A_245 : vector<16xi1>, vector<16xi32>
        %swap3A_247 = arith.constant 16 : index
        %swap3A_248 = tpu.vector_load %arg20[%swap3A_247] {strides = array<i32>} : memref<64xi32, #tpu.memory_space<vmem>>, vector<16xi32>,
        tpu.vector_store %arg20[%swap3A_247], %select_n3A_246 {strides = array<i32>} : memref<64xi32, #tpu.memory_space<vmem>>, vector<16xi32>,
        %gather3A_249 = tpu.vector_load_idx %arg9[%select_n3A_246] : memref<10048xf32, #tpu.memory_space<vmem>>[vector<16xi32>], vector<16xf32>,
        %gather3A_250 = tpu.vector_load_idx %arg10[%select_n3A_246] : memref<10048xf32, #tpu.memory_space<vmem>>[vector<16xi32>], vector<16xf32>,
        %gather3A_251 = tpu.vector_load_idx %arg11[%select_n3A_246] : memref<10048xf32, #tpu.memory_space<vmem>>[vector<16xi32>], vector<16xf32>,
        %sub3A_252 = arith.subf %gather3A_249, %gather3A_145 : vector<16xf32>
        %swap3A_253 = arith.constant 0 : i32
        %swap3A_254 = arith.index_cast %swap3A_253 : i32 to index
        %swap3A_255 = arith.constant 16 : index
        %swap3A_256 = tpu.vector_load %arg24[%swap3A_254, %swap3A_255] {strides = array<i32>} : memref<4x64xf32, #tpu.memory_space<vmem>>, vector<16xf32>,
        tpu.vector_store %arg24[%swap3A_254, %swap3A_255], %sub3A_252 {strides = array<i32>} : memref<4x64xf32, #tpu.memory_space<vmem>>, vector<16xf32>,
        %sub3A_257 = arith.subf %gather3A_250, %gather3A_146 : vector<16xf32>
        %swap3A_258 = arith.constant 1 : i32
        %swap3A_259 = arith.index_cast %swap3A_258 : i32 to index
        %swap3A_260 = arith.constant 16 : index
        %swap3A_261 = tpu.vector_load %arg24[%swap3A_259, %swap3A_260] {strides = array<i32>} : memref<4x64xf32, #tpu.memory_space<vmem>>, vector<16xf32>,
        tpu.vector_store %arg24[%swap3A_259, %swap3A_260], %sub3A_257 {strides = array<i32>} : memref<4x64xf32, #tpu.memory_space<vmem>>, vector<16xf32>,
        %sub3A_262 = arith.subf %gather3A_251, %gather3A_147 : vector<16xf32>
        %swap3A_263 = arith.constant 2 : i32
        %swap3A_264 = arith.index_cast %swap3A_263 : i32 to index
        %swap3A_265 = arith.constant 16 : index
        %swap3A_266 = tpu.vector_load %arg24[%swap3A_264, %swap3A_265] {strides = array<i32>} : memref<4x64xf32, #tpu.memory_space<vmem>>, vector<16xf32>,
        tpu.vector_store %arg24[%swap3A_264, %swap3A_265], %sub3A_262 {strides = array<i32>} : memref<4x64xf32, #tpu.memory_space<vmem>>, vector<16xf32>,
        %jit3A_267 = arith.constant 1.000000e+00 : f32
        %jit3A_268 = arith.constant 0.000000e+00 : f32
        %broadcast_in_dim3A_269 = vector.broadcast %jit3A_267 : f32 to vector<16xf32>
        %broadcast_in_dim3A_270 = vector.broadcast %jit3A_268 : f32 to vector<16xf32>
        %select_n3A_271 = arith.select %lt3A_243, %broadcast_in_dim3A_269, %broadcast_in_dim3A_270 : vector<16xi1>, vector<16xf32>
        %swap3A_272 = arith.constant 3 : i32
        %swap3A_273 = arith.index_cast %swap3A_272 : i32 to index
        %swap3A_274 = arith.constant 16 : index
        %swap3A_275 = tpu.vector_load %arg24[%swap3A_273, %swap3A_274] {strides = array<i32>} : memref<4x64xf32, #tpu.memory_space<vmem>>, vector<16xf32>,
        tpu.vector_store %arg24[%swap3A_273, %swap3A_274], %select_n3A_271 {strides = array<i32>} : memref<4x64xf32, #tpu.memory_space<vmem>>, vector<16xf32>,
        %add3A_276 = arith.constant 32 : i32
        %add3A_277 = vector.broadcast %add3A_276 : i32 to vector<16xi32>
        %add3A_278 = arith.addi %add3A_277, %iota3A : vector<16xi32>
        %get3A_279 = arith.constant 32 : index
        %get3A_280 = tpu.vector_load %arg18[%get3A_279] {strides = array<i32>} : memref<128xi32, #tpu.memory_space<vmem>>, vector<16xi32>,
        %lt3A_281 = vector.broadcast %min3A_199 : i32 to vector<16xi32>
        %lt3A_282 = arith.cmpi slt, %add3A_278, %lt3A_281 : vector<16xi32>
        %jit3A_283 = arith.constant 0 : i32
        %broadcast_in_dim3A_284 = vector.broadcast %jit3A_283 : i32 to vector<16xi32>
        %select_n3A_285 = arith.select %lt3A_282, %get3A_280, %broadcast_in_dim3A_284 : vector<16xi1>, vector<16xi32>
        %swap3A_286 = arith.constant 32 : index
        %swap3A_287 = tpu.vector_load %arg20[%swap3A_286] {strides = array<i32>} : memref<64xi32, #tpu.memory_space<vmem>>, vector<16xi32>,
        tpu.vector_store %arg20[%swap3A_286], %select_n3A_285 {strides = array<i32>} : memref<64xi32, #tpu.memory_space<vmem>>, vector<16xi32>,
        %gather3A_288 = tpu.vector_load_idx %arg9[%select_n3A_285] : memref<10048xf32, #tpu.memory_space<vmem>>[vector<16xi32>], vector<16xf32>,
        %gather3A_289 = tpu.vector_load_idx %arg10[%select_n3A_285] : memref<10048xf32, #tpu.memory_space<vmem>>[vector<16xi32>], vector<16xf32>,
        %gather3A_290 = tpu.vector_load_idx %arg11[%select_n3A_285] : memref<10048xf32, #tpu.memory_space<vmem>>[vector<16xi32>], vector<16xf32>,
        %sub3A_291 = arith.subf %gather3A_288, %gather3A_145 : vector<16xf32>
        %swap3A_292 = arith.constant 0 : i32
        %swap3A_293 = arith.index_cast %swap3A_292 : i32 to index
        %swap3A_294 = arith.constant 32 : index
        %swap3A_295 = tpu.vector_load %arg24[%swap3A_293, %swap3A_294] {strides = array<i32>} : memref<4x64xf32, #tpu.memory_space<vmem>>, vector<16xf32>,
        tpu.vector_store %arg24[%swap3A_293, %swap3A_294], %sub3A_291 {strides = array<i32>} : memref<4x64xf32, #tpu.memory_space<vmem>>, vector<16xf32>,
        %sub3A_296 = arith.subf %gather3A_289, %gather3A_146 : vector<16xf32>
        %swap3A_297 = arith.constant 1 : i32
        %swap3A_298 = arith.index_cast %swap3A_297 : i32 to index
        %swap3A_299 = arith.constant 32 : index
        %swap3A_300 = tpu.vector_load %arg24[%swap3A_298, %swap3A_299] {strides = array<i32>} : memref<4x64xf32, #tpu.memory_space<vmem>>, vector<16xf32>,
        tpu.vector_store %arg24[%swap3A_298, %swap3A_299], %sub3A_296 {strides = array<i32>} : memref<4x64xf32, #tpu.memory_space<vmem>>, vector<16xf32>,
        %sub3A_301 = arith.subf %gather3A_290, %gather3A_147 : vector<16xf32>
        %swap3A_302 = arith.constant 2 : i32
        %swap3A_303 = arith.index_cast %swap3A_302 : i32 to index
        %swap3A_304 = arith.constant 32 : index
        %swap3A_305 = tpu.vector_load %arg24[%swap3A_303, %swap3A_304] {strides = array<i32>} : memref<4x64xf32, #tpu.memory_space<vmem>>, vector<16xf32>,
        tpu.vector_store %arg24[%swap3A_303, %swap3A_304], %sub3A_301 {strides = array<i32>} : memref<4x64xf32, #tpu.memory_space<vmem>>, vector<16xf32>,
        %jit3A_306 = arith.constant 1.000000e+00 : f32
        %jit3A_307 = arith.constant 0.000000e+00 : f32
        %broadcast_in_dim3A_308 = vector.broadcast %jit3A_306 : f32 to vector<16xf32>
        %broadcast_in_dim3A_309 = vector.broadcast %jit3A_307 : f32 to vector<16xf32>
        %select_n3A_310 = arith.select %lt3A_282, %broadcast_in_dim3A_308, %broadcast_in_dim3A_309 : vector<16xi1>, vector<16xf32>
        %swap3A_311 = arith.constant 3 : i32
        %swap3A_312 = arith.index_cast %swap3A_311 : i32 to index
        %swap3A_313 = arith.constant 32 : index
        %swap3A_314 = tpu.vector_load %arg24[%swap3A_312, %swap3A_313] {strides = array<i32>} : memref<4x64xf32, #tpu.memory_space<vmem>>, vector<16xf32>,
        tpu.vector_store %arg24[%swap3A_312, %swap3A_313], %select_n3A_310 {strides = array<i32>} : memref<4x64xf32, #tpu.memory_space<vmem>>, vector<16xf32>,
        %add3A_315 = arith.constant 48 : i32
        %add3A_316 = vector.broadcast %add3A_315 : i32 to vector<16xi32>
        %add3A_317 = arith.addi %add3A_316, %iota3A : vector<16xi32>
        %get3A_318 = arith.constant 48 : index
        %get3A_319 = tpu.vector_load %arg18[%get3A_318] {strides = array<i32>} : memref<128xi32, #tpu.memory_space<vmem>>, vector<16xi32>,
        %lt3A_320 = vector.broadcast %min3A_199 : i32 to vector<16xi32>
        %lt3A_321 = arith.cmpi slt, %add3A_317, %lt3A_320 : vector<16xi32>
        %jit3A_322 = arith.constant 0 : i32
        %broadcast_in_dim3A_323 = vector.broadcast %jit3A_322 : i32 to vector<16xi32>
        %select_n3A_324 = arith.select %lt3A_321, %get3A_319, %broadcast_in_dim3A_323 : vector<16xi1>, vector<16xi32>
        %swap3A_325 = arith.constant 48 : index
        %swap3A_326 = tpu.vector_load %arg20[%swap3A_325] {strides = array<i32>} : memref<64xi32, #tpu.memory_space<vmem>>, vector<16xi32>,
        tpu.vector_store %arg20[%swap3A_325], %select_n3A_324 {strides = array<i32>} : memref<64xi32, #tpu.memory_space<vmem>>, vector<16xi32>,
        %gather3A_327 = tpu.vector_load_idx %arg9[%select_n3A_324] : memref<10048xf32, #tpu.memory_space<vmem>>[vector<16xi32>], vector<16xf32>,
        %gather3A_328 = tpu.vector_load_idx %arg10[%select_n3A_324] : memref<10048xf32, #tpu.memory_space<vmem>>[vector<16xi32>], vector<16xf32>,
        %gather3A_329 = tpu.vector_load_idx %arg11[%select_n3A_324] : memref<10048xf32, #tpu.memory_space<vmem>>[vector<16xi32>], vector<16xf32>,
        %sub3A_330 = arith.subf %gather3A_327, %gather3A_145 : vector<16xf32>
        %swap3A_331 = arith.constant 0 : i32
        %swap3A_332 = arith.index_cast %swap3A_331 : i32 to index
        %swap3A_333 = arith.constant 48 : index
        %swap3A_334 = tpu.vector_load %arg24[%swap3A_332, %swap3A_333] {strides = array<i32>} : memref<4x64xf32, #tpu.memory_space<vmem>>, vector<16xf32>,
        tpu.vector_store %arg24[%swap3A_332, %swap3A_333], %sub3A_330 {strides = array<i32>} : memref<4x64xf32, #tpu.memory_space<vmem>>, vector<16xf32>,
        %sub3A_335 = arith.subf %gather3A_328, %gather3A_146 : vector<16xf32>
        %swap3A_336 = arith.constant 1 : i32
        %swap3A_337 = arith.index_cast %swap3A_336 : i32 to index
        %swap3A_338 = arith.constant 48 : index
        %swap3A_339 = tpu.vector_load %arg24[%swap3A_337, %swap3A_338] {strides = array<i32>} : memref<4x64xf32, #tpu.memory_space<vmem>>, vector<16xf32>,
        tpu.vector_store %arg24[%swap3A_337, %swap3A_338], %sub3A_335 {strides = array<i32>} : memref<4x64xf32, #tpu.memory_space<vmem>>, vector<16xf32>,
        %sub3A_340 = arith.subf %gather3A_329, %gather3A_147 : vector<16xf32>
        %swap3A_341 = arith.constant 2 : i32
        %swap3A_342 = arith.index_cast %swap3A_341 : i32 to index
        %swap3A_343 = arith.constant 48 : index
        %swap3A_344 = tpu.vector_load %arg24[%swap3A_342, %swap3A_343] {strides = array<i32>} : memref<4x64xf32, #tpu.memory_space<vmem>>, vector<16xf32>,
        tpu.vector_store %arg24[%swap3A_342, %swap3A_343], %sub3A_340 {strides = array<i32>} : memref<4x64xf32, #tpu.memory_space<vmem>>, vector<16xf32>,
        %jit3A_345 = arith.constant 1.000000e+00 : f32
        %jit3A_346 = arith.constant 0.000000e+00 : f32
        %broadcast_in_dim3A_347 = vector.broadcast %jit3A_345 : f32 to vector<16xf32>
        %broadcast_in_dim3A_348 = vector.broadcast %jit3A_346 : f32 to vector<16xf32>
        %select_n3A_349 = arith.select %lt3A_321, %broadcast_in_dim3A_347, %broadcast_in_dim3A_348 : vector<16xi1>, vector<16xf32>
        %swap3A_350 = arith.constant 3 : i32
        %swap3A_351 = arith.index_cast %swap3A_350 : i32 to index
        %swap3A_352 = arith.constant 48 : index
        %swap3A_353 = tpu.vector_load %arg24[%swap3A_351, %swap3A_352] {strides = array<i32>} : memref<4x64xf32, #tpu.memory_space<vmem>>, vector<16xf32>,
        tpu.vector_store %arg24[%swap3A_351, %swap3A_352], %select_n3A_349 {strides = array<i32>} : memref<4x64xf32, #tpu.memory_space<vmem>>, vector<16xf32>,
        %ge3A_354 = arith.constant 2 : i32
        %ge3A_355 = arith.cmpi sge, %add3A_130, %ge3A_354 : i32
        %convert_element_type3A_356 = arith.extui %ge3A_355 : i1 to i32
        %cond3A_357 = arith.constant 0 : i32
        %cond3A_358 = arith.cmpi ne, %convert_element_type3A_356, %cond3A_357 : i32
        scf.if %cond3A_358 {
          %mul3A_370 = arith.constant 64 : i32
          %mul3A_371 = arith.muli %sub3A_137, %mul3A_370 : i32
          %dma_wait3A_372 = arith.constant 0 : i32
          %dma_wait3A_373 = tpu.memref_slice %arg7[%mul3A_371, %dma_wait3A_372] : memref<320000x128xf32, #tpu.memory_space<hbm>> -> memref<64x128xf32, #tpu.memory_space<hbm>>
          %dma_wait3A_374 = arith.constant 0 : i32
          %dma_wait3A_375 = tpu.memref_slice %arg7[%mul3A_371, %dma_wait3A_374] : memref<320000x128xf32, #tpu.memory_space<hbm>> -> memref<64x128xf32, #tpu.memory_space<hbm>>
          tpu.wait_dma2 semaphore(%arg30 : memref<!tpu.dma_semaphore, #tpu.memory_space<semaphore_mem>>) src(%arg22 : memref<64x128xf32, #tpu.memory_space<vmem>>) dst(%dma_wait3A_375 : memref<64x128xf32, #tpu.memory_space<hbm>>)
        } else {
        }
        %dma_start3A_359 = arith.constant 0 : i32
        %dma_start3A_360 = arith.constant 0 : i32
        %dma_start3A_361 = tpu.memref_slice %arg6[%dma_start3A_359, %dma_start3A_360] : memref<10000x128xf32, #tpu.memory_space<hbm>> -> memref<10000x128xf32, #tpu.memory_space<hbm>>
        tpu.enqueue_indirect_dma source(%dma_start3A_361 : memref<10000x128xf32, #tpu.memory_space<hbm>>) target(%arg22 : memref<64x128xf32, #tpu.memory_space<vmem>>) offsets(%arg20 : memref<64xi32, #tpu.memory_space<vmem>>) semaphore(%arg26 : memref<!tpu.dma_semaphore, #tpu.memory_space<semaphore_mem>>)
        %dma_start3A_362 = arith.constant 0 : i32
        %dma_start3A_363 = arith.constant 0 : i32
        %dma_start3A_364 = tpu.memref_slice %arg8[%add3A_131, %dma_start3A_362, %dma_start3A_363] : memref<5000x4x64xf32, #tpu.memory_space<hbm>> -> memref<1x4x64xf32, #tpu.memory_space<hbm>>
        %dma_start3A_365 = tpu.memref_squeeze %dma_start3A_364 : memref<1x4x64xf32, #tpu.memory_space<hbm>> -> memref<4x64xf32, #tpu.memory_space<hbm>>
        %dma_start3A_366 = arith.constant 0 : i32
        %dma_start3A_367 = arith.constant 0 : i32
        %dma_start3A_368 = tpu.memref_slice %arg8[%add3A_131, %dma_start3A_366, %dma_start3A_367] : memref<5000x4x64xf32, #tpu.memory_space<hbm>> -> memref<1x4x64xf32, #tpu.memory_space<hbm>>
        %dma_start3A_369 = tpu.memref_squeeze %dma_start3A_368 : memref<1x4x64xf32, #tpu.memory_space<hbm>> -> memref<4x64xf32, #tpu.memory_space<hbm>>
        tpu.enqueue_dma source(%arg24 : memref<4x64xf32, #tpu.memory_space<vmem>>) target(%dma_start3A_369 : memref<4x64xf32, #tpu.memory_space<hbm>>) target_semaphore(%arg28 : memref<!tpu.dma_semaphore, #tpu.memory_space<semaphore_mem>>)
      } else {
      }
    }
    %scan3A_14 = arith.constant 79 : i32
    %sub3A_15 = arith.constant 0 : i32
    %sub3A_16 = arith.subi %sub3A, %sub3A_15 : i32
    %add3A_17 = arith.constant 1 : i32
    %add3A_18 = arith.addi %sub3A_16, %add3A_17 : i32
    %jit3A = arith.constant 2 : i32
    %div3A = arith.divsi %add3A_18, %jit3A : i32
    %sign3A = arith.constant 0 : i32
    %sign3A_19 = arith.cmpi sgt, %add3A_18, %sign3A : i32
    %sign3A_20 = arith.extui %sign3A_19 : i1 to i32
    %sign3A_21 = arith.constant 0 : i32
    %sign3A_22 = arith.cmpi slt, %add3A_18, %sign3A_21 : i32
    %sign3A_23 = arith.extui %sign3A_22 : i1 to i32
    %sign3A_24 = arith.subi %sign3A_20, %sign3A_23 : i32
    %sign3A_25 = arith.constant 0 : i32
    %sign3A_26 = arith.cmpi sgt, %jit3A, %sign3A_25 : i32
    %sign3A_27 = arith.extui %sign3A_26 : i1 to i32
    %sign3A_28 = arith.constant 0 : i32
    %sign3A_29 = arith.cmpi slt, %jit3A, %sign3A_28 : i32
    %sign3A_30 = arith.extui %sign3A_29 : i1 to i32
    %sign3A_31 = arith.subi %sign3A_27, %sign3A_30 : i32
    %ne3A = arith.cmpi ne, %sign3A_24, %sign3A_31 : i32
    %rem3A = arith.remsi %add3A_18, %jit3A : i32
    %ne3A_32 = arith.constant 0 : i32
    %ne3A_33 = arith.cmpi ne, %rem3A, %ne3A_32 : i32
    %and3A = arith.andi %ne3A, %ne3A_33 : i1
    %sub3A_34 = arith.constant 1 : i32
    %sub3A_35 = arith.subi %div3A, %sub3A_34 : i32
    %select_n3A = arith.select %and3A, %sub3A_35, %div3A : i32
    %sub3A_36 = arith.constant 1 : i32
    %sub3A_37 = arith.subi %select_n3A, %sub3A_36 : i32
    %mul3A_38 = arith.constant 2 : i32
    %mul3A_39 = arith.muli %sub3A_37, %mul3A_38 : i32
    %add3A_40 = arith.addi %mul3A_2, %mul3A_39 : i32
    %add3A_41 = arith.constant 0 : i32
    %add3A_42 = arith.addi %add3A_40, %add3A_41 : i32
    %dma_wait3A = arith.constant 0 : i32
    %dma_wait3A_43 = arith.constant 0 : i32
    %dma_wait3A_44 = tpu.memref_slice %arg6[%dma_wait3A, %dma_wait3A_43] : memref<10000x128xf32, #tpu.memory_space<hbm>> -> memref<10000x128xf32, #tpu.memory_space<hbm>>
    tpu.wait_indirect_dma semaphore(%arg25 : memref<!tpu.dma_semaphore, #tpu.memory_space<semaphore_mem>>) src(%dma_wait3A_44 : memref<10000x128xf32, #tpu.memory_space<hbm>>) dst(%arg21 : memref<64x128xf32, #tpu.memory_space<vmem>>)
    %mul3A_45 = arith.constant 64 : i32
    %mul3A_46 = arith.muli %add3A_42, %mul3A_45 : i32
    %dma_start3A = arith.constant 0 : i32
    %dma_start3A_47 = tpu.memref_slice %arg7[%mul3A_46, %dma_start3A] : memref<320000x128xf32, #tpu.memory_space<hbm>> -> memref<64x128xf32, #tpu.memory_space<hbm>>
    %dma_start3A_48 = arith.constant 0 : i32
    %dma_start3A_49 = tpu.memref_slice %arg7[%mul3A_46, %dma_start3A_48] : memref<320000x128xf32, #tpu.memory_space<hbm>> -> memref<64x128xf32, #tpu.memory_space<hbm>>
    tpu.enqueue_dma source(%arg21 : memref<64x128xf32, #tpu.memory_space<vmem>>) target(%dma_start3A_49 : memref<64x128xf32, #tpu.memory_space<hbm>>) target_semaphore(%arg29 : memref<!tpu.dma_semaphore, #tpu.memory_space<semaphore_mem>>)
    %dma_wait3A_50 = arith.constant 0 : i32
    %dma_wait3A_51 = arith.constant 0 : i32
    %dma_wait3A_52 = tpu.memref_slice %arg8[%add3A_42, %dma_wait3A_50, %dma_wait3A_51] : memref<5000x4x64xf32, #tpu.memory_space<hbm>> -> memref<1x4x64xf32, #tpu.memory_space<hbm>>
    %dma_wait3A_53 = tpu.memref_squeeze %dma_wait3A_52 : memref<1x4x64xf32, #tpu.memory_space<hbm>> -> memref<4x64xf32, #tpu.memory_space<hbm>>
    %dma_wait3A_54 = arith.constant 0 : i32
    %dma_wait3A_55 = arith.constant 0 : i32
    %dma_wait3A_56 = tpu.memref_slice %arg8[%add3A_42, %dma_wait3A_54, %dma_wait3A_55] : memref<5000x4x64xf32, #tpu.memory_space<hbm>> -> memref<1x4x64xf32, #tpu.memory_space<hbm>>
    %dma_wait3A_57 = tpu.memref_squeeze %dma_wait3A_56 : memref<1x4x64xf32, #tpu.memory_space<hbm>> -> memref<4x64xf32, #tpu.memory_space<hbm>>
    tpu.wait_dma2 semaphore(%arg27 : memref<!tpu.dma_semaphore, #tpu.memory_space<semaphore_mem>>) src(%arg23 : memref<4x64xf32, #tpu.memory_space<vmem>>) dst(%dma_wait3A_57 : memref<4x64xf32, #tpu.memory_space<hbm>>)
    %mul3A_58 = arith.constant 64 : i32
    %mul3A_59 = arith.muli %add3A_42, %mul3A_58 : i32
    %dma_wait3A_60 = arith.constant 0 : i32
    %dma_wait3A_61 = tpu.memref_slice %arg7[%mul3A_59, %dma_wait3A_60] : memref<320000x128xf32, #tpu.memory_space<hbm>> -> memref<64x128xf32, #tpu.memory_space<hbm>>
    %dma_wait3A_62 = arith.constant 0 : i32
    %dma_wait3A_63 = tpu.memref_slice %arg7[%mul3A_59, %dma_wait3A_62] : memref<320000x128xf32, #tpu.memory_space<hbm>> -> memref<64x128xf32, #tpu.memory_space<hbm>>
    tpu.wait_dma2 semaphore(%arg29 : memref<!tpu.dma_semaphore, #tpu.memory_space<semaphore_mem>>) src(%arg21 : memref<64x128xf32, #tpu.memory_space<vmem>>) dst(%dma_wait3A_63 : memref<64x128xf32, #tpu.memory_space<hbm>>)
    %sub3A_64 = arith.constant 1 : i32
    %sub3A_65 = arith.subi %sub3A, %sub3A_64 : i32
    %add3A_66 = arith.constant 1 : i32
    %add3A_67 = arith.addi %sub3A_65, %add3A_66 : i32
    %jit3A_68 = arith.constant 2 : i32
    %div3A_69 = arith.divsi %add3A_67, %jit3A_68 : i32
    %sign3A_70 = arith.constant 0 : i32
    %sign3A_71 = arith.cmpi sgt, %add3A_67, %sign3A_70 : i32
    %sign3A_72 = arith.extui %sign3A_71 : i1 to i32
    %sign3A_73 = arith.constant 0 : i32
    %sign3A_74 = arith.cmpi slt, %add3A_67, %sign3A_73 : i32
    %sign3A_75 = arith.extui %sign3A_74 : i1 to i32
    %sign3A_76 = arith.subi %sign3A_72, %sign3A_75 : i32
    %sign3A_77 = arith.constant 0 : i32
    %sign3A_78 = arith.cmpi sgt, %jit3A_68, %sign3A_77 : i32
    %sign3A_79 = arith.extui %sign3A_78 : i1 to i32
    %sign3A_80 = arith.constant 0 : i32
    %sign3A_81 = arith.cmpi slt, %jit3A_68, %sign3A_80 : i32
    %sign3A_82 = arith.extui %sign3A_81 : i1 to i32
    %sign3A_83 = arith.subi %sign3A_79, %sign3A_82 : i32
    %ne3A_84 = arith.cmpi ne, %sign3A_76, %sign3A_83 : i32
    %rem3A_85 = arith.remsi %add3A_67, %jit3A_68 : i32
    %ne3A_86 = arith.constant 0 : i32
    %ne3A_87 = arith.cmpi ne, %rem3A_85, %ne3A_86 : i32
    %and3A_88 = arith.andi %ne3A_84, %ne3A_87 : i1
    %sub3A_89 = arith.constant 1 : i32
    %sub3A_90 = arith.subi %div3A_69, %sub3A_89 : i32
    %select_n3A_91 = arith.select %and3A_88, %sub3A_90, %div3A_69 : i32
    %sub3A_92 = arith.constant 1 : i32
    %sub3A_93 = arith.subi %select_n3A_91, %sub3A_92 : i32
    %mul3A_94 = arith.constant 2 : i32
    %mul3A_95 = arith.muli %sub3A_93, %mul3A_94 : i32
    %add3A_96 = arith.addi %mul3A_2, %mul3A_95 : i32
    %add3A_97 = arith.constant 1 : i32
    %add3A_98 = arith.addi %add3A_96, %add3A_97 : i32
    %dma_wait3A_99 = arith.constant 0 : i32
    %dma_wait3A_100 = arith.constant 0 : i32
    %dma_wait3A_101 = tpu.memref_slice %arg6[%dma_wait3A_99, %dma_wait3A_100] : memref<10000x128xf32, #tpu.memory_space<hbm>> -> memref<10000x128xf32, #tpu.memory_space<hbm>>
    tpu.wait_indirect_dma semaphore(%arg26 : memref<!tpu.dma_semaphore, #tpu.memory_space<semaphore_mem>>) src(%dma_wait3A_101 : memref<10000x128xf32, #tpu.memory_space<hbm>>) dst(%arg22 : memref<64x128xf32, #tpu.memory_space<vmem>>)
    %mul3A_102 = arith.constant 64 : i32
    %mul3A_103 = arith.muli %add3A_98, %mul3A_102 : i32
    %dma_start3A_104 = arith.constant 0 : i32
    %dma_start3A_105 = tpu.memref_slice %arg7[%mul3A_103, %dma_start3A_104] : memref<320000x128xf32, #tpu.memory_space<hbm>> -> memref<64x128xf32, #tpu.memory_space<hbm>>
    %dma_start3A_106 = arith.constant 0 : i32
    %dma_start3A_107 = tpu.memref_slice %arg7[%mul3A_103, %dma_start3A_106] : memref<320000x128xf32, #tpu.memory_space<hbm>> -> memref<64x128xf32, #tpu.memory_space<hbm>>
    tpu.enqueue_dma source(%arg22 : memref<64x128xf32, #tpu.memory_space<vmem>>) target(%dma_start3A_107 : memref<64x128xf32, #tpu.memory_space<hbm>>) target_semaphore(%arg30 : memref<!tpu.dma_semaphore, #tpu.memory_space<semaphore_mem>>)
    %dma_wait3A_108 = arith.constant 0 : i32
    %dma_wait3A_109 = arith.constant 0 : i32
    %dma_wait3A_110 = tpu.memref_slice %arg8[%add3A_98, %dma_wait3A_108, %dma_wait3A_109] : memref<5000x4x64xf32, #tpu.memory_space<hbm>> -> memref<1x4x64xf32, #tpu.memory_space<hbm>>
    %dma_wait3A_111 = tpu.memref_squeeze %dma_wait3A_110 : memref<1x4x64xf32, #tpu.memory_space<hbm>> -> memref<4x64xf32, #tpu.memory_space<hbm>>
    %dma_wait3A_112 = arith.constant 0 : i32
    %dma_wait3A_113 = arith.constant 0 : i32
    %dma_wait3A_114 = tpu.memref_slice %arg8[%add3A_98, %dma_wait3A_112, %dma_wait3A_113] : memref<5000x4x64xf32, #tpu.memory_space<hbm>> -> memref<1x4x64xf32, #tpu.memory_space<hbm>>
    %dma_wait3A_115 = tpu.memref_squeeze %dma_wait3A_114 : memref<1x4x64xf32, #tpu.memory_space<hbm>> -> memref<4x64xf32, #tpu.memory_space<hbm>>
    tpu.wait_dma2 semaphore(%arg28 : memref<!tpu.dma_semaphore, #tpu.memory_space<semaphore_mem>>) src(%arg24 : memref<4x64xf32, #tpu.memory_space<vmem>>) dst(%dma_wait3A_115 : memref<4x64xf32, #tpu.memory_space<hbm>>)
    %mul3A_116 = arith.constant 64 : i32
    %mul3A_117 = arith.muli %add3A_98, %mul3A_116 : i32
    %dma_wait3A_118 = arith.constant 0 : i32
    %dma_wait3A_119 = tpu.memref_slice %arg7[%mul3A_117, %dma_wait3A_118] : memref<320000x128xf32, #tpu.memory_space<hbm>> -> memref<64x128xf32, #tpu.memory_space<hbm>>
    %dma_wait3A_120 = arith.constant 0 : i32
    %dma_wait3A_121 = tpu.memref_slice %arg7[%mul3A_117, %dma_wait3A_120] : memref<320000x128xf32, #tpu.memory_space<hbm>> -> memref<64x128xf32, #tpu.memory_space<hbm>>
    tpu.wait_dma2 semaphore(%arg30 : memref<!tpu.dma_semaphore, #tpu.memory_space<semaphore_mem>>) src(%arg22 : memref<64x128xf32, #tpu.memory_space<vmem>>) dst(%dma_wait3A_121 : memref<64x128xf32, #tpu.memory_space<hbm>>)
    return
  }
}

module attributes {stable_mosaic.version = 14 : i64} {
  func.func @_dense_y_kernel(%arg0: memref<10000x128xf32, #tpu.memory_space<vmem>>, %arg1: memref<128x128xf32, #tpu.memory_space<vmem>>, %arg2: memref<1x128xf32, #tpu.memory_space<vmem>>, %arg3: memref<10000x128xf32, #tpu.memory_space<vmem>>) attributes {dimension_semantics = [], scalar_prefetch = 0 : i64, scratch_operands = 0 : i64, tpu.core_type = #tpu.core_type<tc>} {
    %get3A = arith.constant 0 : index
    %get3A_0 = arith.constant 0 : index
    %get3A_1 = vector.load %arg0[%get3A, %get3A_0] : memref<10000x128xf32, #tpu.memory_space<vmem>>, vector<10000x128xf32>
    %get3A_2 = arith.constant 0 : index
    %get3A_3 = arith.constant 0 : index
    %get3A_4 = vector.load %arg1[%get3A_2, %get3A_3] : memref<128x128xf32, #tpu.memory_space<vmem>>, vector<128x128xf32>
    %dot_general3A = arith.constant dense<0.000000e+00> : vector<10000x128xf32>
    %dot_general3A_5 = tpu.matmul %get3A_1, %get3A_4, %dot_general3A {dimension_numbers = #tpu.dot_dimension_numbers<[1], [0], [0], [1], [0, 0, 1, 1], [], []>, transpose_lhs_hint = false} : vector<10000x128xf32>, vector<128x128xf32>, vector<10000x128xf32> -> vector<10000x128xf32>
    %get3A_6 = arith.constant 0 : index
    %get3A_7 = arith.constant 0 : index
    %get3A_8 = vector.load %arg2[%get3A_6, %get3A_7] : memref<1x128xf32, #tpu.memory_space<vmem>>, vector<1x128xf32>
    %add3A = vector.broadcast %get3A_8 : vector<1x128xf32> to vector<10000x128xf32>
    %add3A_9 = arith.addf %dot_general3A_5, %add3A : vector<10000x128xf32>
    %swap3A = arith.constant 0 : index
    %swap3A_10 = arith.constant 0 : index
    %swap3A_11 = vector.load %arg3[%swap3A, %swap3A_10] : memref<10000x128xf32, #tpu.memory_space<vmem>>, vector<10000x128xf32>
    tpu.vector_store %arg3[%swap3A, %swap3A_10], %add3A_9 {strides = array<i32>} : memref<10000x128xf32, #tpu.memory_space<vmem>>, vector<10000x128xf32>,
    return
  }
}

module attributes {stable_mosaic.version = 14 : i64} {
  func.func @_fps_kernel(%arg0: memref<80x128xf32, #tpu.memory_space<vmem>>, %arg1: memref<80x128xf32, #tpu.memory_space<vmem>>, %arg2: memref<80x128xf32, #tpu.memory_space<vmem>>, %arg3: memref<5000xi32, #tpu.memory_space<smem>>, %arg4: memref<5000xf32, #tpu.memory_space<smem>>, %arg5: memref<5000xf32, #tpu.memory_space<smem>>, %arg6: memref<5000xf32, #tpu.memory_space<smem>>) attributes {dimension_semantics = [], scalar_prefetch = 0 : i64, scratch_operands = 0 : i64, tpu.core_type = #tpu.core_type<tc>} {
    %get3A = arith.constant 0 : index
    %get3A_0 = arith.constant 0 : index
    %get3A_1 = vector.load %arg0[%get3A, %get3A_0] : memref<80x128xf32, #tpu.memory_space<vmem>>, vector<80x128xf32>
    %get3A_2 = arith.constant 0 : index
    %get3A_3 = arith.constant 0 : index
    %get3A_4 = vector.load %arg1[%get3A_2, %get3A_3] : memref<80x128xf32, #tpu.memory_space<vmem>>, vector<80x128xf32>
    %get3A_5 = arith.constant 0 : index
    %get3A_6 = arith.constant 0 : index
    %get3A_7 = vector.load %arg2[%get3A_5, %get3A_6] : memref<80x128xf32, #tpu.memory_space<vmem>>, vector<80x128xf32>
    %iota3A = tpu.iota {dimensions = array<i32: 0>} : vector<80x128xi32>
    %mul3A = arith.constant 128 : i32
    %mul3A_8 = vector.broadcast %mul3A : i32 to vector<80x128xi32>
    %mul3A_9 = arith.muli %iota3A, %mul3A_8 : vector<80x128xi32>
    %iota3A_10 = tpu.iota {dimensions = array<i32: 1>} : vector<80x128xi32>
    %add3A = arith.addi %mul3A_9, %iota3A_10 : vector<80x128xi32>
    %ge3A = arith.constant 10000 : i32
    %ge3A_11 = vector.broadcast %ge3A : i32 to vector<80x128xi32>
    %ge3A_12 = arith.cmpi sge, %add3A, %ge3A_11 : vector<80x128xi32>
    %get3A_13 = arith.constant 0 : index
    %get3A_14 = arith.constant 0 : index
    %get3A_15 = vector.load %arg0[%get3A_13, %get3A_14] : memref<80x128xf32, #tpu.memory_space<vmem>>, vector<1x1xf32>
    %get3A_16 = vector.extract %get3A_15[0, 0] : f32 from vector<1x1xf32>
    %get3A_17 = arith.constant 0 : index
    %get3A_18 = arith.constant 0 : index
    %get3A_19 = vector.load %arg1[%get3A_17, %get3A_18] : memref<80x128xf32, #tpu.memory_space<vmem>>, vector<1x1xf32>
    %get3A_20 = vector.extract %get3A_19[0, 0] : f32 from vector<1x1xf32>
    %get3A_21 = arith.constant 0 : index
    %get3A_22 = arith.constant 0 : index
    %get3A_23 = vector.load %arg2[%get3A_21, %get3A_22] : memref<80x128xf32, #tpu.memory_space<vmem>>, vector<1x1xf32>
    %get3A_24 = vector.extract %get3A_23[0, 0] : f32 from vector<1x1xf32>
    %sub3A = vector.broadcast %get3A_16 : f32 to vector<80x128xf32>
    %sub3A_25 = arith.subf %get3A_1, %sub3A : vector<80x128xf32>
    %sub3A_26 = vector.broadcast %get3A_20 : f32 to vector<80x128xf32>
    %sub3A_27 = arith.subf %get3A_4, %sub3A_26 : vector<80x128xf32>
    %sub3A_28 = vector.broadcast %get3A_24 : f32 to vector<80x128xf32>
    %sub3A_29 = arith.subf %get3A_7, %sub3A_28 : vector<80x128xf32>
    %mul3A_30 = arith.mulf %sub3A_25, %sub3A_25 : vector<80x128xf32>
    %mul3A_31 = arith.mulf %sub3A_27, %sub3A_27 : vector<80x128xf32>
    %add3A_32 = arith.addf %mul3A_30, %mul3A_31 : vector<80x128xf32>
    %mul3A_33 = arith.mulf %sub3A_29, %sub3A_29 : vector<80x128xf32>
    %add3A_34 = arith.addf %add3A_32, %mul3A_33 : vector<80x128xf32>
    %jit3A = arith.constant 0xFF800000 : f32
    %broadcast_in_dim3A = vector.broadcast %jit3A : f32 to vector<80x128xf32>
    %select_n3A = arith.select %ge3A_12, %broadcast_in_dim3A, %add3A_34 : vector<80x128xi1>, vector<80x128xf32>
    %swap3A = arith.constant 0 : i32
    %swap3A_35 = arith.constant 0 : index
    %swap3A_36 = memref.load %arg3[%swap3A_35] : memref<5000xi32, #tpu.memory_space<smem>>
    memref.store %swap3A, %arg3[%swap3A_35] : memref<5000xi32, #tpu.memory_space<smem>>
    %swap3A_37 = arith.constant 0 : index
    %swap3A_38 = memref.load %arg4[%swap3A_37] : memref<5000xf32, #tpu.memory_space<smem>>
    memref.store %get3A_16, %arg4[%swap3A_37] : memref<5000xf32, #tpu.memory_space<smem>>
    %swap3A_39 = arith.constant 0 : index
    %swap3A_40 = memref.load %arg5[%swap3A_39] : memref<5000xf32, #tpu.memory_space<smem>>
    memref.store %get3A_20, %arg5[%swap3A_39] : memref<5000xf32, #tpu.memory_space<smem>>
    %swap3A_41 = arith.constant 0 : index
    %swap3A_42 = memref.load %arg6[%swap3A_41] : memref<5000xf32, #tpu.memory_space<smem>>
    memref.store %get3A_24, %arg6[%swap3A_41] : memref<5000xf32, #tpu.memory_space<smem>>
    %iota3A_43 = tpu.iota {dimensions = array<i32: 1>} : vector<1x128xi32>
    %scan3A = arith.constant 1 : i32
    %scan3A_44 = arith.constant 4999 : i32
    %scan3A_45 = arith.addi %scan3A, %scan3A_44 : i32
    %scan3A_46 = arith.constant 1 : i32
    %scan3A_47 = scf.for %scan3A_49 = %scan3A to %scan3A_45 step %scan3A_46 iter_args(%scan3A_50 = %select_n3A) -> (vector<80x128xf32>)  : i32 {
      %reduce_max3A = vector.shape_cast %scan3A_50 : vector<80x128xf32> to vector<1x80x128xf32>
      %reduce_max3A_51 = arith.constant dense<0xFF800000> : vector<1xf32>
      %reduce_max3A_52 = vector.multi_reduction <maximumf>, %reduce_max3A, %reduce_max3A_51 [1, 2] : vector<1x80x128xf32> to vector<1xf32>
      %reduce_max3A_53 = vector.shape_cast %reduce_max3A_52 : vector<1xf32> to vector<1x1x1xf32>
      %reduce_max3A_54 = vector.extract %reduce_max3A_53[0, 0, 0] : f32 from vector<1x1x1xf32>
      %eq3A = vector.broadcast %reduce_max3A_54 : f32 to vector<80x128xf32>
      %eq3A_55 = arith.cmpf oeq, %scan3A_50, %eq3A : vector<80x128xf32>
      %jit3A_56 = arith.constant 1073741824 : i32
      %broadcast_in_dim3A_57 = vector.broadcast %jit3A_56 : i32 to vector<80x128xi32>
      %select_n3A_58 = arith.select %eq3A_55, %add3A, %broadcast_in_dim3A_57 : vector<80x128xi1>, vector<80x128xi32>
      %reduce_min3A = vector.shape_cast %select_n3A_58 : vector<80x128xi32> to vector<1x80x128xi32>
      %reduce_min3A_59 = arith.constant dense<2147483647> : vector<1xi32>
      %reduce_min3A_60 = vector.multi_reduction <minsi>, %reduce_min3A, %reduce_min3A_59 [1, 2] : vector<1x80x128xi32> to vector<1xi32>
      %reduce_min3A_61 = vector.shape_cast %reduce_min3A_60 : vector<1xi32> to vector<1x1x1xi32>
      %reduce_min3A_62 = vector.extract %reduce_min3A_61[0, 0, 0] : i32 from vector<1x1x1xi32>
      %shift_right_arithmetic3A = arith.constant 7 : i32
      %shift_right_arithmetic3A_63 = arith.shrsi %reduce_min3A_62, %shift_right_arithmetic3A : i32
      %and3A = arith.constant 127 : i32
      %and3A_64 = arith.andi %reduce_min3A_62, %and3A : i32
      %eq3A_65 = vector.broadcast %and3A_64 : i32 to vector<1x128xi32>
      %eq3A_66 = arith.cmpi eq, %iota3A_43, %eq3A_65 : vector<1x128xi32>
      %get3A_67 = arith.index_cast %shift_right_arithmetic3A_63 : i32 to index
      %get3A_68 = arith.constant 0 : index
      %get3A_69 = vector.load %arg0[%get3A_67, %get3A_68] : memref<80x128xf32, #tpu.memory_space<vmem>>, vector<1x128xf32>
      %jit3A_70 = arith.constant 0.000000e+00 : f32
      %broadcast_in_dim3A_71 = vector.broadcast %jit3A_70 : f32 to vector<1x128xf32>
      %select_n3A_72 = arith.select %eq3A_66, %get3A_69, %broadcast_in_dim3A_71 : vector<1x128xi1>, vector<1x128xf32>
      %reduce_sum3A = vector.shape_cast %select_n3A_72 : vector<1x128xf32> to vector<1x1x128xf32>
      %reduce_sum3A_73 = arith.constant dense<0.000000e+00> : vector<1xf32>
      %reduce_sum3A_74 = vector.multi_reduction <add>, %reduce_sum3A, %reduce_sum3A_73 [1, 2] : vector<1x1x128xf32> to vector<1xf32>
      %reduce_sum3A_75 = vector.shape_cast %reduce_sum3A_74 : vector<1xf32> to vector<1x1x1xf32>
      %reduce_sum3A_76 = vector.extract %reduce_sum3A_75[0, 0, 0] : f32 from vector<1x1x1xf32>
      %get3A_77 = arith.index_cast %shift_right_arithmetic3A_63 : i32 to index
      %get3A_78 = arith.constant 0 : index
      %get3A_79 = vector.load %arg1[%get3A_77, %get3A_78] : memref<80x128xf32, #tpu.memory_space<vmem>>, vector<1x128xf32>
      %jit3A_80 = arith.constant 0.000000e+00 : f32
      %broadcast_in_dim3A_81 = vector.broadcast %jit3A_80 : f32 to vector<1x128xf32>
      %select_n3A_82 = arith.select %eq3A_66, %get3A_79, %broadcast_in_dim3A_81 : vector<1x128xi1>, vector<1x128xf32>
      %reduce_sum3A_83 = vector.shape_cast %select_n3A_82 : vector<1x128xf32> to vector<1x1x128xf32>
      %reduce_sum3A_84 = arith.constant dense<0.000000e+00> : vector<1xf32>
      %reduce_sum3A_85 = vector.multi_reduction <add>, %reduce_sum3A_83, %reduce_sum3A_84 [1, 2] : vector<1x1x128xf32> to vector<1xf32>
      %reduce_sum3A_86 = vector.shape_cast %reduce_sum3A_85 : vector<1xf32> to vector<1x1x1xf32>
      %reduce_sum3A_87 = vector.extract %reduce_sum3A_86[0, 0, 0] : f32 from vector<1x1x1xf32>
      %get3A_88 = arith.index_cast %shift_right_arithmetic3A_63 : i32 to index
      %get3A_89 = arith.constant 0 : index
      %get3A_90 = vector.load %arg2[%get3A_88, %get3A_89] : memref<80x128xf32, #tpu.memory_space<vmem>>, vector<1x128xf32>
      %jit3A_91 = arith.constant 0.000000e+00 : f32
      %broadcast_in_dim3A_92 = vector.broadcast %jit3A_91 : f32 to vector<1x128xf32>
      %select_n3A_93 = arith.select %eq3A_66, %get3A_90, %broadcast_in_dim3A_92 : vector<1x128xi1>, vector<1x128xf32>
      %reduce_sum3A_94 = vector.shape_cast %select_n3A_93 : vector<1x128xf32> to vector<1x1x128xf32>
      %reduce_sum3A_95 = arith.constant dense<0.000000e+00> : vector<1xf32>
      %reduce_sum3A_96 = vector.multi_reduction <add>, %reduce_sum3A_94, %reduce_sum3A_95 [1, 2] : vector<1x1x128xf32> to vector<1xf32>
      %reduce_sum3A_97 = vector.shape_cast %reduce_sum3A_96 : vector<1xf32> to vector<1x1x1xf32>
      %reduce_sum3A_98 = vector.extract %reduce_sum3A_97[0, 0, 0] : f32 from vector<1x1x1xf32>
      %swap3A_99 = arith.index_cast %scan3A_49 : i32 to index
      %swap3A_100 = memref.load %arg3[%swap3A_99] : memref<5000xi32, #tpu.memory_space<smem>>
      memref.store %reduce_min3A_62, %arg3[%swap3A_99] : memref<5000xi32, #tpu.memory_space<smem>>
      %swap3A_101 = arith.index_cast %scan3A_49 : i32 to index
      %swap3A_102 = memref.load %arg4[%swap3A_101] : memref<5000xf32, #tpu.memory_space<smem>>
      memref.store %reduce_sum3A_76, %arg4[%swap3A_101] : memref<5000xf32, #tpu.memory_space<smem>>
      %swap3A_103 = arith.index_cast %scan3A_49 : i32 to index
      %swap3A_104 = memref.load %arg5[%swap3A_103] : memref<5000xf32, #tpu.memory_space<smem>>
      memref.store %reduce_sum3A_87, %arg5[%swap3A_103] : memref<5000xf32, #tpu.memory_space<smem>>
      %swap3A_105 = arith.index_cast %scan3A_49 : i32 to index
      %swap3A_106 = memref.load %arg6[%swap3A_105] : memref<5000xf32, #tpu.memory_space<smem>>
      memref.store %reduce_sum3A_98, %arg6[%swap3A_105] : memref<5000xf32, #tpu.memory_space<smem>>
      %sub3A_107 = vector.broadcast %reduce_sum3A_76 : f32 to vector<80x128xf32>
      %sub3A_108 = arith.subf %get3A_1, %sub3A_107 : vector<80x128xf32>
      %sub3A_109 = vector.broadcast %reduce_sum3A_87 : f32 to vector<80x128xf32>
      %sub3A_110 = arith.subf %get3A_4, %sub3A_109 : vector<80x128xf32>
      %sub3A_111 = vector.broadcast %reduce_sum3A_98 : f32 to vector<80x128xf32>
      %sub3A_112 = arith.subf %get3A_7, %sub3A_111 : vector<80x128xf32>
      %mul3A_113 = arith.mulf %sub3A_108, %sub3A_108 : vector<80x128xf32>
      %mul3A_114 = arith.mulf %sub3A_110, %sub3A_110 : vector<80x128xf32>
      %add3A_115 = arith.addf %mul3A_113, %mul3A_114 : vector<80x128xf32>
      %mul3A_116 = arith.mulf %sub3A_112, %sub3A_112 : vector<80x128xf32>
      %add3A_117 = arith.addf %add3A_115, %mul3A_116 : vector<80x128xf32>
      %min3A = arith.minimumf %scan3A_50, %add3A_117 : vector<80x128xf32>
      scf.yield %min3A : vector<80x128xf32>
    }
    %scan3A_48 = arith.constant 4999 : i32
    return
  }
}

module attributes {stable_mosaic.version = 14 : i64} {
  func.func @_mlp_kernel(%arg0: i32, %arg1: memref<12800x128xf32, #tpu.memory_space<vmem>>, %arg2: memref<12800x4xf32, #tpu.memory_space<vmem>>, %arg3: memref<4x128xf32, #tpu.memory_space<vmem>>, %arg4: memref<128x128xf32, #tpu.memory_space<vmem>>, %arg5: memref<1x128xf32, #tpu.memory_space<vmem>>, %arg6: memref<200x128xf32, #tpu.memory_space<vmem>>) attributes {dimension_semantics = [#tpu.dimension_semantics<arbitrary>], iteration_bounds = array<i64: 25>, scalar_prefetch = 0 : i64, scratch_operands = 0 : i64, tpu.core_type = #tpu.core_type<tc>, window_params = [{transform_indices = @transform_0, window_bounds = array<i64: 12800, 128>}, {transform_indices = @transform_1, window_bounds = array<i64: 12800, 4>}, {pipeline_mode = #tpu.pipeline_mode<synchronous>, transform_indices = @transform_2, window_bounds = array<i64: 4, 128>}, {pipeline_mode = #tpu.pipeline_mode<synchronous>, transform_indices = @transform_3, window_bounds = array<i64: 128, 128>}, {pipeline_mode = #tpu.pipeline_mode<synchronous>, transform_indices = @transform_4, window_bounds = array<i64: 1, 128>}, {transform_indices = @transform_5, window_bounds = array<i64: 200, 128>}]} {
    %get3A = arith.constant 0 : index
    %get3A_0 = arith.constant 0 : index
    %get3A_1 = vector.load %arg1[%get3A, %get3A_0] : memref<12800x128xf32, #tpu.memory_space<vmem>>, vector<12800x128xf32>
    %get3A_2 = arith.constant 0 : index
    %get3A_3 = arith.constant 0 : index
    %get3A_4 = vector.load %arg2[%get3A_2, %get3A_3] : memref<12800x4xf32, #tpu.memory_space<vmem>>, vector<12800x4xf32>
    %get3A_5 = arith.constant 0 : index
    %get3A_6 = arith.constant 0 : index
    %get3A_7 = vector.load %arg3[%get3A_5, %get3A_6] : memref<4x128xf32, #tpu.memory_space<vmem>>, vector<4x128xf32>
    %dot_general3A = arith.constant dense<0.000000e+00> : vector<12800x128xf32>
    %dot_general3A_8 = tpu.matmul %get3A_4, %get3A_7, %dot_general3A {dimension_numbers = #tpu.dot_dimension_numbers<[1], [0], [0], [1], [0, 0, 1, 1], [], []>, transpose_lhs_hint = false} : vector<12800x4xf32>, vector<4x128xf32>, vector<12800x128xf32> -> vector<12800x128xf32>
    %add3A = arith.addf %get3A_1, %dot_general3A_8 : vector<12800x128xf32>
    %max3A = arith.constant 0.000000e+00 : f32
    %max3A_9 = vector.broadcast %max3A : f32 to vector<12800x128xf32>
    %max3A_10 = arith.maximumf %add3A, %max3A_9 : vector<12800x128xf32>
    %get3A_11 = arith.constant 0 : index
    %get3A_12 = arith.constant 0 : index
    %get3A_13 = vector.load %arg4[%get3A_11, %get3A_12] : memref<128x128xf32, #tpu.memory_space<vmem>>, vector<128x128xf32>
    %dot_general3A_14 = arith.constant dense<0.000000e+00> : vector<12800x128xf32>
    %dot_general3A_15 = tpu.matmul %max3A_10, %get3A_13, %dot_general3A_14 {dimension_numbers = #tpu.dot_dimension_numbers<[1], [0], [0], [1], [0, 0, 1, 1], [], []>, transpose_lhs_hint = false} : vector<12800x128xf32>, vector<128x128xf32>, vector<12800x128xf32> -> vector<12800x128xf32>
    %get3A_16 = arith.constant 0 : index
    %get3A_17 = arith.constant 0 : index
    %get3A_18 = vector.load %arg5[%get3A_16, %get3A_17] : memref<1x128xf32, #tpu.memory_space<vmem>>, vector<1x128xf32>
    %add3A_19 = vector.broadcast %get3A_18 : vector<1x128xf32> to vector<12800x128xf32>
    %add3A_20 = arith.addf %dot_general3A_15, %add3A_19 : vector<12800x128xf32>
    %max3A_21 = arith.constant 0.000000e+00 : f32
    %max3A_22 = vector.broadcast %max3A_21 : f32 to vector<12800x128xf32>
    %max3A_23 = arith.maximumf %add3A_20, %max3A_22 : vector<12800x128xf32>
    %get3A_24 = arith.constant 0 : index
    %get3A_25 = arith.constant 3 : index
    %get3A_26 = vector.load %arg2[%get3A_24, %get3A_25] : memref<12800x4xf32, #tpu.memory_space<vmem>>, vector<12800x1xf32>
    %mul3A = vector.broadcast %get3A_26 : vector<12800x1xf32> to vector<12800x128xf32>
    %mul3A_27 = arith.mulf %max3A_23, %mul3A : vector<12800x128xf32>
    %reshape3A = vector.shape_cast %mul3A_27 : vector<12800x128xf32> to vector<200x64x128xf32>
    %reduce_max3A = arith.constant dense<0xFF800000> : vector<200x128xf32>
    %reduce_max3A_28 = vector.multi_reduction <maximumf>, %reshape3A, %reduce_max3A [1] : vector<200x64x128xf32> to vector<200x128xf32>
    %swap3A = arith.constant 0 : index
    %swap3A_29 = arith.constant 0 : index
    %swap3A_30 = vector.load %arg6[%swap3A, %swap3A_29] : memref<200x128xf32, #tpu.memory_space<vmem>>, vector<200x128xf32>
    tpu.vector_store %arg6[%swap3A, %swap3A_29], %reduce_max3A_28 {strides = array<i32>} : memref<200x128xf32, #tpu.memory_space<vmem>>, vector<200x128xf32>,
    return
  }
  func.func @transform_0(%arg0: i32) -> (i32, i32) {
    %c0_i32 = arith.constant 0 : i32
    %c0_i32_0 = arith.constant 0 : i32
    return %arg0, %c0_i32 : i32, i32
  }
  func.func @transform_1(%arg0: i32) -> (i32, i32) {
    %c0_i32 = arith.constant 0 : i32
    %c0_i32_0 = arith.constant 0 : i32
    return %arg0, %c0_i32 : i32, i32
  }
  func.func @transform_2(%arg0: i32) -> (i32, i32) {
    %c0_i32 = arith.constant 0 : i32
    %c0_i32_0 = arith.constant 0 : i32
    %c0_i32_1 = arith.constant 0 : i32
    return %c0_i32, %c0_i32_0 : i32, i32
  }
  func.func @transform_3(%arg0: i32) -> (i32, i32) {
    %c0_i32 = arith.constant 0 : i32
    %c0_i32_0 = arith.constant 0 : i32
    %c0_i32_1 = arith.constant 0 : i32
    return %c0_i32, %c0_i32_0 : i32, i32
  }
  func.func @transform_4(%arg0: i32) -> (i32, i32) {
    %c0_i32 = arith.constant 0 : i32
    %c0_i32_0 = arith.constant 0 : i32
    %c0_i32_1 = arith.constant 0 : i32
    return %c0_i32, %c0_i32_0 : i32, i32
  }
  func.func @transform_5(%arg0: i32) -> (i32, i32) {
    %c0_i32 = arith.constant 0 : i32
    %c0_i32_0 = arith.constant 0 : i32
    return %arg0, %c0_i32 : i32, i32
  }
}

</mosaic_0001>

<sc_bundles>
// kernel: gather_offload_async_start
scs
__scs_entry_jumppad:
0x0: {  	(pc) =	sbr.rel $0x88, $3  }
0x1: {  	(tag) =	ssettag $0x0;
	lr =	simm.s32 $0x1  }
0x2: {  	[smem:$0x3F9A] =	sst lr;
	_ =	strace $0xD0000000  }
0x3: {  	_ = 	snop  }
0x4: {  	_ = 	snop  }
0x5: {  	_ = 	snop  }
0x6: {  	_ = 	snop  }
0x7: {  	_ = 	snop  }
__scs_overlays_trampoline_lowered:
0x8: {  	[smem:$0x3FA9] =	sst s0  }
0x9: {  	[smem:$0x3FAA] =	sst s1  }
0xa: {  	[smem:$0x3FAB] =	sst s2  }
0xb: {  	[smem:$0x3FAC] =	sst s3  }
0xc: {  	[smem:$0x3FAD] =	sst s4  }
0xd: {  	[smem:$0x3FAE] =	sst s5  }
0xe: {  	[smem:$0x3FAF] =	sst s6  }
0xf: {  	[smem:$0x3FB0] =	sst s7  }
0x10: {  	[smem:$0x3FB1] =	sst s8  }
0x11: {  	[smem:$0x3FB2] =	sst s9;
	s0 =	simm.s32 @!p0 $0x0  }
0x12: {  	s1 =	sld [smem:$0x3F98];
	s0 =	simm.s32 @p0 $0x1  }
0x13: {  	[smem:$0x3FB3] =	sst s0;
	s0 =	simm.s32 @!p1 $0x0  }
0x14: {  	s2 =	sld [smem:$0x3F97];
	s0 =	simm.s32 @p1 $0x1  }
0x15: {  	[smem:$0x3FB4] =	sst s0;
	s0 =	simm.s32 @!p2 $0x0  }
0x16: {  	s3 =	sld [smem:$0x3FDB];
	s0 =	simm.s32 @p2 $0x1  }
0x17: {  	s4 =	simm.s32 $0x1BF5;
	[smem:$0x3FB6] =	sst s0  }
0x18: {  	s0 =	sld [smem:$0x3F99];
	_ =	swait.ge [sflag:s4], $0x0  }
0x19: {  	s7 =	sld [smem:$0x3F9A]  }
0x1a: {  	s8 =	sadd.s32 $0xFFFFE003, lr  }
0x1b: {  	s9 =	sadd.s32 $0xFFFFFEF7, lr;
	s5 =	simm.s32 $0xFFFFFFFF;
	p2 =	slt.u32 s8, $0xFFFFF086  }
0x1c: {  	p1 =	slt.u32 s9, $0xF7A;
	s5 =	simm.s32 @!p2 $0x0  }
0x1d: {  	s5 =	simm.s32 @p1 $0x1;
	p0 =	seq.s32 s7, s2  }
0x1e: {  	s7 =	smul.u32 @!p0 $0xF7A, s2;
	p2 =	seq.s32 @!p0 s5, $0x0  }
0x1f: {  	s9 =	smul.u32 $0xF7A, s1;
	s8 =	simm.s32 @!p0 $0x1BF5;
	p2 =	por !p2, p0  }
0x20: {  	[sflag:s8] =	ssyncset.s32 @!p0 $0xFFFFF086;
	s6 =	sadd.s32 @!p0 s3, s7;
	s7 =	simm.s32 @!p0 $0x108  }
0x21: {  	s3 =	sadd.s32 s3, s9;
	s6 =	sadd.s32 @!p0 $0x88, s6;
	s7 =	simm.s32 @p2 $0x1082  }
0x22: {  	[simem:s7], [sflag:s8] =	dma.local @!p0 [hbm:s6], $0xF7A  }
0x23: {  	s9 =	sor.u32 $0xD0000000, s2;
	s6 =	simm.s32 $0x108;
	_ =	swait.ge @!p0 [sflag:s8], $0x0  }
0x24: {  	s3 =	sadd.s32 $0x88, s3;
	s6 =	simm.s32 @!p1 $0x1082;
	[sflag:s4] =	ssyncset.s32 $0xFFFFF086  }
0x25: {  	[simem:s6], [sflag:s4] =	dma.local [hbm:s3], $0xF7A  }
0x26: {  	[smem:$0x3F9A] =	sst s1;
	(tag) =	ssettag s2;
	_ =	strace s9  }
0x27: {  	s1 =	sld [smem:$0x3FAA]  }
0x28: {  	s2 =	sld [smem:$0x3FAB]  }
0x29: {  	s4 =	sld [smem:$0x3FAD]  }
0x2a: {  	p0 =	seq.s32 s5, $0x0;
	s5 =	sld [smem:$0x3FAE]  }
0x2b: {  	s6 =	sld [smem:$0x3FAF]  }
0x2c: {  	s7 =	sld [smem:$0x3FB0]  }
0x2d: {  	s3 =	simm.s32 $0x108;
	s8 =	sld [smem:$0x3FB1]  }
0x2e: {  	s3 =	simm.s32 @!p0 $0x1082;
	s9 =	sld [smem:$0x3FB2]  }
0x2f: {  	lr =	sadd.s32 s0, s3;
	s0 =	sld [smem:$0x3FA9]  }
0x30: {  	s3 =	sld [smem:$0x3FAC]  }
0x31: {  	[smem:$0x3FB5] =	sst s10  }
0x32: {  	s10 =	sld [smem:$0x3FB3];
	_ =	sdelay $0x3  }
0x33: {  	p0 =	seq.s32 s10, $0x1;
	s10 =	sld [smem:$0x3FB5];
	_ =	sdelay $0x3  }
0x34: {  	[smem:$0x3FB5] =	sst s10  }
0x35: {  	s10 =	sld [smem:$0x3FB4];
	_ =	sdelay $0x3  }
0x36: {  	p1 =	seq.s32 s10, $0x1;
	s10 =	sld [smem:$0x3FB5];
	_ =	sdelay $0x3  }
0x37: {  	[smem:$0x3FB5] =	sst s10  }
0x38: {  	s10 =	sld [smem:$0x3FB6]  }
0x39: {  	_ = 	snop;
	(pc) =	sbr.ind lr, $3  }
0x3a: {  	_ = 	snop  }
0x3b: {  	_ = 	snop  }
0x3c: {  	p2 =	seq.s32 s10, $0x1;
	s10 =	sld [smem:$0x3FB5]  }
0x3d: {  	_ =	shalt  }
0x3e: {  	_ =	shalt  }
0x3f: {  	_ =	shalt  }
0x40: {  	_ =	shalt  }
0x41: {  	_ =	shalt  }
0x42: {  	_ =	shalt  }
0x43: {  	_ =	shalt  }
0x44: {  	_ =	shalt  }
0x45: {  	_ =	shalt  }
0x46: {  	_ =	shalt  }
0x47: {  	_ =	shalt  }
0x48: {  	_ =	shalt  }
0x49: {  	_ =	shalt  }
0x4a: {  	_ =	shalt  }
0x4b: {  	_ =	shalt  }
0x4c: {  	_ =	shalt  }
0x4d: {  	_ =	shalt  }
0x4e: {  	_ =	shalt  }
0x4f: {  	_ =	shalt  }
0x50: {  	_ =	shalt  }
0x51: {  	_ =	shalt  }
0x52: {  	_ =	shalt  }
0x53: {  	_ =	shalt  }
0x54: {  	_ =	shalt  }
0x55: {  	_ =	shalt  }
0x56: {  	_ =	shalt  }
0x57: {  	_ =	shalt  }
0x58: {  	_ =	shalt  }
0x59: {  	_ =	shalt  }
0x5a: {  	_ =	shalt  }
0x5b: {  	_ =	shalt  }
0x5c: {  	_ =	shalt  }
0x5d: {  	_ =	shalt  }
0x5e: {  	_ =	shalt  }
0x5f: {  	_ =	shalt  }
0x60: {  	_ =	shalt  }
0x61: {  	_ =	shalt  }
0x62: {  	_ =	shalt  }
0x63: {  	_ =	shalt  }
0x64: {  	_ =	shalt  }
0x65: {  	_ =	shalt  }
0x66: {  	_ =	shalt  }
0x67: {  	_ =	shalt  }
0x68: {  	_ =	shalt  }
0x69: {  	_ =	shalt  }
0x6a: {  	_ =	shalt  }
0x6b: {  	_ =	shalt  }
0x6c: {  	_ =	shalt  }
0x6d: {  	_ =	shalt  }
0x6e: {  	_ =	shalt  }
0x6f: {  	_ =	shalt  }
0x70: {  	_ =	shalt  }
0x71: {  	_ =	shalt  }
0x72: {  	_ =	shalt  }
0x73: {  	_ =	shalt  }
0x74: {  	_ =	shalt  }
0x75: {  	_ =	shalt  }
0x76: {  	_ =	shalt  }
0x77: {  	_ =	shalt  }
0x78: {  	_ =	shalt  }
0x79: {  	_ =	shalt  }
0x7a: {  	_ =	shalt  }
0x7b: {  	_ =	shalt  }
0x7c: {  	_ =	shalt  }
0x7d: {  	_ =	shalt  }
0x7e: {  	_ =	shalt  }
0x7f: {  	_ =	shalt  }
0x80: {  	_ =	shalt  }
0x81: {  	_ =	shalt  }
0x82: {  	_ =	shalt  }
0x83: {  	_ =	shalt  }
0x84: {  	_ =	shalt  }
0x85: {  	_ =	shalt  }
0x86: {  	_ =	shalt  }
0x87: {  	_ =	shalt  }
.Lfunc_end0:
.L_simem_size_0:
called_computation_lowered:
.L_overlay_start_0:
0x88: {  	s0 =	sld [smem:$0x3FD9]  }
0x89: {  	s1 =	sld [smem:$0x3FFE];
	_ =	sdelay $0x3  }
0x8a: {  	s0 =	sadd.s32 s1, s0  }
0x8b: {  	[smem:$0x3FC1] =	sst s0  }
0x8c: {  	_ = 	snop  }
0x8d: {  	s0 =	sld [smem:$0x3FD0];
	_ =	sdelay $0x2  }
0x8e: {  	s2 =	simm.s32 $0xB;
	s3 =	simm.s32 $0x10;
	s13 =	sld [smem:$0x3FC7]  }
0x8f: {  	[smem:s3], [sflag:s2] =	dma.local [hbm:s0], $0x1  }
0x90: {  	_ =	swait.eq [sflag:s2], $0x1  }
0x91: {  	[sflag:s2] =	ssyncset.done $0x0  }
0x92: {  	[sflag:s2] =	ssyncadd.s32 $0xFFFFFFFF  }
0x93: {  	s14 =	sld [smem:$0x12];
	(tm) =	ssettm $0x1  }
0x94: {  	s15 =	sld [smem:$0x3FFB];
	_ =	sdelay $0x3  }
0x95: {  	_ =	strace s15  }
0x96: {  	s2 =	sld [smem:$0x3FFC];
	_ =	sdelay $0x3  }
0x97: {  	_ =	strace s2  }
0x98: {  	s2 =	sld [smem:$0x3FFD];
	_ =	sdelay $0x3  }
0x99: {  	_ =	strace s2  }
0x9a: {  	_ =	strace $0x8FFFFFFF  }
0x9b: {  	s16 =	sld [smem:$0x3FDB];
	_ =	sdelay $0x1  }
0x9c: {  	s17 =	simm.s32 $_scs_section_size  }
0x9d: {  	s4 =	simm.s32 $_size__tile_overlayer_lowered;
	s5 =	simm.s32 $_tile_overlayer_lowered  }
0x9e: {  	s20 =	simm.s32 $0x1BFF;
	s19 =	sshll.u32 s5, $0x1;
	s2 =	sadd.s32 s17, s16  }
0x9f: {  	s6 =	simm.s32 $0x0;
	s18 =	sshll.u32 s4, $0x1;
	s4 =	sadd.s32 s19, s2  }
0xa0: {  	[timem:s6], [sflag:s20] =	dma.local [hbm:s4], s18  }
0xa1: {  	_ =	swait.ge [sflag:s20], s18  }
0xa2: {  	s3 =	ssub.s32 $0x0, s18;
	[sflag:s20] =	ssyncset.done $0x0  }
0xa3: {  	[sflag:s20] =	ssyncadd.s32 s3;
	_ =	sdelay $0x1  }
0xa4: {  	s21 =	simm.s32 $0x1B8B  }
0xa5: {  	_ =	swait.ge [sflag:s21], $0x1  }
0xa6: {  	[sflag:s21] =	ssyncset.done $0x0  }
0xa7: {  	s23 =	simm.s32 $0x1B8E;
	s22 =	sld [smem:$0x3FFE];
	[sflag:s21] =	ssyncadd.s32 $0xFFFFFFFF  }
0xa8: {  	s24 =	simm.s32 $execute0_lowered;
	[smem:$0x3FD2] =	sst s23  }
0xa9: {  	s4 =	sshll.u32 s24, $0x1;
	_ =	strace $0x80000046;
	[dreg:$0x1] =	wrdreg $0xFFFFFFFF  }
0xaa: {  	s25 =	simm.s32 $_size_execute0_lowered;
	s2 =	sadd.s32 s2, s4;
	[dreg:$0x0] =	wrdreg $0x0  }
0xab: {  	s4 =	sshll.u32 s25, $0x1;
	[dreg:$0x2] =	wrdreg s2  }
0xac: {  	[dreg:$0x3] =	wrdreg s4  }
0xad: {  	[dreg:$0x4] =	wrdreg $0xC0  }
0xae: {  	_ =	task [dreg:s6], $0x5FFFF  }
0xaf: {  	[dreg:$0x1] =	wrdreg $0xFFFFFFFF  }
0xb0: {  	[dreg:$0x0] =	wrdreg $0x60  }
0xb1: {  	[dreg:$0x2] =	wrdreg s13  }
0xb2: {  	[dreg:$0x3] =	wrdreg s14  }
0xb3: {  	[dreg:$0x4] =	wrdreg s22  }
0xb4: {  	[dreg:$0x5] =	wrdreg $0x9  }
0xb5: {  	_ =	task.clear_ibuf [dreg:s6], $0x6FFFF;
	_ =	strace $0x90000046  }
0xb6: {  	s26 =	simm.s32 $0x9;
	_ =	strace $0x80000048  }
0xb7: {  	_ =	swait.ge [sflag:s26], $0x1  }
0xb8: {  	[sflag:s26] =	ssyncadd.s32 $0xFFFFFFFF  }
0xb9: {  	_ =	strace $0x90000048  }
0xba: {  	_ =	sfence  }
0xbb: {  	s28 =	sld [smem:$0x0];
	_ =	sdelay $0x1  }
0xbc: {  	s29 =	srdreg.scid  }
0xbd: {  	s30 =	sshll.u32 s29, $0xD;
	s31 =	sshrl.u32 s29, $0x2  }
0xbe: {  	s1 =	sand.u32 $0x1, s29;
	s2 =	sand.u32 $0x4000, s30;
	s0 =	sadd.s32 s31, s28  }
0xbf: {  	s1 =	sor.u32 s2, s1;
	s0 =	sshll.u32 s0, $0x11  }
0xc0: {  	s0 =	sor.u32 s0, s1  }
0xc1: {  	s0 =	sadd.s32 $0x8F2B, s0  }
0xc2: {  	[sflag:s0] =	ssyncadd.remote.s32 $0x1  }
0xc3: {  	_ =	sfence.sel $0xFFFF  }
0xc4: {  	[dreg:$0x0] =	wrdreg $0xFFFFFFFF;
	(pc) =	sbr.abs _section_cstart, $3  }
0xc5: {  	[dreg:$0x1] =	wrdreg $0xFFFFFFFF  }
0xc6: {  	_ =	task.clear_ibuf [dreg:s6], $0x2FFFF;
	_ =	strace $0x9FFFFFFF  }
0xc7: {  	(tm) =	ssettm $0x7FFFFFFF  }
tec
execute0_lowered:
.L_overlay_start_1:
0x0: {  	(tag) =	ssettag $0x1  }
0x1: {  	s2 =	rddreg [dreg:$0x0]  }
0x2: {  	s3 =	rddreg [dreg:$0x1]  }
0x3: {  	s5 =	rddreg [dreg:$0x2]  }
0x4: {  	s0 =	rddreg [dreg:$0x3];
	s1 =	stileid.u32  }
0x5: {  	_ =	strace $0x80000047;
	s6 =	simm.s32 $0x1;
	s8 =	simm.s32 $0x2  }
0x6: {  	s30 =	simm.s32 $0x3;
	s12 =	simm.s32 $0x0;
	s4 =	sshll.u32 s1, $0x4  }
0x7: {  	s9 =	simm.s32 $0x0;
	s10 =	simm.s32 $0x0;
	s7 =	ssub.s32 $0x1380, s4  }
0x8: {  	s5 =	sadd.s32 $0x2A00, s5;
	[sflag:s6] =	ssyncpa.u1 $0x0;
	s6 =	sshrl.u32 s7, $0x8  }
0x9: {  	[sflag:s8] =	ssyncpa.u1 $0x0;
	s11 =	smov.u32 s4;
	s31 =	sshll.u32 s6, $0x4  }
0xa: {  	[sflag:s30] =	ssyncpa.u1 $0x0;
	s7 =	sadd.s32 $0x2, s6;
	s8 =	sadd.s32 $0x30, s31  }
.LBB2_1:
0xb: {  	p0 =	sgt.u32 s10, s6  }
0xc: {  	s13 =	sxor.u32 @!p0 $0xFFFFFFFF, s9;
	s14 =	sshrl.u32 @!p0 s11, $0x3  }
0xd: {  	s15 =	sand.u32 @!p0 $0x7, s11;
	s13 =	sand.u32 @!p0 $0x10, s13;
	s14 =	sadd.s32 @!p0 s3, s14  }
0xe: {  	[tilespmem:s13], [sflag:$0x2] =	stream.linear.gather @!p0 [hbm4b:s14+s15], $0x10, $0x38;
	[tilespmem:$0x40] =	vst v63  }
0xf: {  	p0 =	seq.s32 s9, $0x0  }
0x10: {  	p1 =	sge.u32 @!p0 s10, s7  }
0x11: {  	p0 =	por p1, p0  }
0x12: {  	s13 =	simm.s32 @!p0 $0x2  }
0x13: {  	_ =	swait.ge @!p0 [sflag:s13], $0x10  }
0x14: {  	[sflag:s13] =	ssyncset.done @!p0 $0x0  }
0x15: {  	[sflag:s13] =	ssyncadd.s32 @!p0 $0xFFFFFFF0;
	s13 =	sand.u32 @!p0 $0x10, s9  }
0x16: {  	(ifvalue) =	ssetifvalue @!p0 $0x7FFFFFFF;
	v0 =	vld.msk @!p0 [tilespmem:s13+$0x0 ss:$0x1], $0xffff;
	_ =	sdelay $0x4  }
0x17: {  	vm0 =	vgt.s32 @!p0 v0, $0x0  }
0x18: {  	v0 =	vnsel @!p0 vm0, $0x0, v0  }
0x19: {  	v0 =	vmin.u32 @!p0 v0, $0x270F;
	_ =	sdelay $0x3  }
0x1a: {  	s14 =	simm.s32 @!p0 $0x0;
	s13 =	sor.u32 @!p0 $0x20, s13;
	(ifvalue) =	ssetifvalue @!p0 $0x7FFFFFFF;
	vm0 =	vmmov @!p0 $0xffff  }
0x1b: {  	[tilespmem:s13], [sflag:$0x1] =	stream.indirect_vreg.gather @!p0 [hbm4b:s2+s14], $0x1, v0, vm0, $0x4038;
	[tilespmem:$0x40] =	vst v63  }
0x1c: {  	s14 =	simm.s32 @!p0 $0x1  }
0x1d: {  	_ =	swait.ge @!p0 [sflag:s14], $0x10  }
0x1e: {  	s15 =	sshrl.u32 @!p0 s12, $0x3;
	[sflag:s14] =	ssyncset.done @!p0 $0x0  }
0x1f: {  	s12 =	sand.u32 @!p0 $0x7, s12;
	[sflag:s14] =	ssyncadd.s32 @!p0 $0xFFFFFFF0;
	s14 =	sadd.s32 @!p0 s5, s15  }
0x20: {  	[hbm4b:s14+s12] =	stream.linear.scatter @!p0 [tilespmem:s13], [sflag:$0x3], $0x10, $0x38;
	[tilespmem:$0x40] =	vst v63  }
0x21: {  	s14 =	sadd.s32 $0x100, s11  }
0x22: {  	s9 =	sadd.s32 $0x10, s9;
	p1 =	sgt.s32 s14, $0x1387  }
0x23: {  	s14 =	smov.u32 @p1 s4;
	p1 =	sne.s32 s8, s9  }
.Ltmp0:
0x24: {  	p0 =	slt.u32 s10, $0x2;
	(pc) =	sbr.rel @p1 .LBB2_1-.Ltmp0, $4  }
0x25: {  	s13 =	simm.s32 @!p0 $0x3  }
0x26: {  	_ =	swait.ge @!p0 [sflag:s13], $0x10  }
0x27: {  	s12 =	smov.u32 s11;
	[sflag:s13] =	ssyncset.done @!p0 $0x0  }
0x28: {  	s10 =	sadd.s32 $0x1, s10;
	s11 =	smov.u32 s14;
	[sflag:s13] =	ssyncadd.s32 @!p0 $0xFFFFFFF0  }
0x29: {  	_ =	sfence.sel $0x180000  }
0x2a: {  	s2 =	simm.s32 $0x2;
	[bflag:$0x0] =	sbarrier.arrive $0xFFFF  }
0x2b: {  	s30 =	simm.s32 $0x3;
	[sflag:s2] =	ssyncpa.u1 $0x1  }
0x2c: {  	s31 =	simm.s32 $0x1;
	[sflag:s30] =	ssyncpa.u1 $0x1  }
0x2d: {  	[sflag:s31] =	ssyncpa.u1 $0x1  }
0x2e: {  	p0 =	sne.s32 s1, $0x0;
	_ =	strace $0x90000047  }
0x2f: {  	s0 =	sadd.s32 @!p0 $0x100000, s0;
	[bflag:$0x2] =	sbarrier.arrive $0xFFFF  }
0x30: {  	[sflag:s0] =	ssyncadd.tile.s32 @!p0 $0x1;
	_ =	shalt  }
.Lfunc_end2:
_tile_overlayer_lowered:
.L_overlay_start_2:
0x31: {  	(tag) =	ssettag $0x2  }
0x32: {  	s0 =	rddreg [dreg:$0x0];
	s2 =	stileid.u32  }
0x33: {  	s1 =	rddreg [dreg:$0x1];
	p0 =	sne.s32 s2, $0x0  }
0x34: {  	s3 =	rddreg [dreg:$0x2];
	[bflag:$0x3] =	sbarrier.arrive $0xFFFF;
	s2 =	simm.s32 @!p0 $0x1C01  }
0x35: {  	[timem:s3], [sflag:s2] =	dma.local @!p0 [hbm:s0], s1  }
0x36: {  	s0 =	simm.s32 @!p0 $0x1  }
0x37: {  	_ =	swait.ge @!p0 [sflag:s0], s1  }
0x38: {  	s1 =	ssub.s32 @!p0 $0x0, s1;
	[sflag:s0] =	ssyncset.done @!p0 $0x0  }
0x39: {  	[sflag:s0] =	ssyncadd.s32 @!p0 s1  }
0x3a: {  	[bflag:$0x3] =	sbarrier.arrive $0xFFFF  }
0x3b: {  	_ =	shalt  }

// kernel: kernel.6.cloned.1.call-start
scs
__scs_entry_jumppad:
0x0: {  	(pc) =	sbr.rel $0x88, $3  }
0x1: {  	(tag) =	ssettag $0x0;
	lr =	simm.s32 $0x1  }
0x2: {  	[smem:$0x3F9A] =	sst lr;
	_ =	strace $0xD0000000  }
0x3: {  	_ = 	snop  }
0x4: {  	_ = 	snop  }
0x5: {  	_ = 	snop  }
0x6: {  	_ = 	snop  }
0x7: {  	_ = 	snop  }
__scs_overlays_trampoline_lowered:
0x8: {  	[smem:$0x3FA9] =	sst s0  }
0x9: {  	[smem:$0x3FAA] =	sst s1  }
0xa: {  	[smem:$0x3FAB] =	sst s2  }
0xb: {  	[smem:$0x3FAC] =	sst s3  }
0xc: {  	[smem:$0x3FAD] =	sst s4  }
0xd: {  	[smem:$0x3FAE] =	sst s5  }
0xe: {  	[smem:$0x3FAF] =	sst s6  }
0xf: {  	[smem:$0x3FB0] =	sst s7  }
0x10: {  	[smem:$0x3FB1] =	sst s8  }
0x11: {  	[smem:$0x3FB2] =	sst s9;
	s0 =	simm.s32 @!p0 $0x0  }
0x12: {  	s1 =	sld [smem:$0x3F98];
	s0 =	simm.s32 @p0 $0x1  }
0x13: {  	[smem:$0x3FB3] =	sst s0;
	s0 =	simm.s32 @!p1 $0x0  }
0x14: {  	s2 =	sld [smem:$0x3F97];
	s0 =	simm.s32 @p1 $0x1  }
0x15: {  	[smem:$0x3FB4] =	sst s0;
	s0 =	simm.s32 @!p2 $0x0  }
0x16: {  	s3 =	sld [smem:$0x3FDB];
	s0 =	simm.s32 @p2 $0x1  }
0x17: {  	s4 =	simm.s32 $0x1BF5;
	[smem:$0x3FB6] =	sst s0  }
0x18: {  	s0 =	sld [smem:$0x3F99];
	_ =	swait.ge [sflag:s4], $0x0  }
0x19: {  	s7 =	sld [smem:$0x3F9A]  }
0x1a: {  	s8 =	sadd.s32 $0xFFFFE003, lr  }
0x1b: {  	s9 =	sadd.s32 $0xFFFFFEF7, lr;
	s5 =	simm.s32 $0xFFFFFFFF;
	p2 =	slt.u32 s8, $0xFFFFF086  }
0x1c: {  	p1 =	slt.u32 s9, $0xF7A;
	s5 =	simm.s32 @!p2 $0x0  }
0x1d: {  	s5 =	simm.s32 @p1 $0x1;
	p0 =	seq.s32 s7, s2  }
0x1e: {  	s7 =	smul.u32 @!p0 $0xF7A, s2;
	p2 =	seq.s32 @!p0 s5, $0x0  }
0x1f: {  	s9 =	smul.u32 $0xF7A, s1;
	s8 =	simm.s32 @!p0 $0x1BF5;
	p2 =	por !p2, p0  }
0x20: {  	[sflag:s8] =	ssyncset.s32 @!p0 $0xFFFFF086;
	s6 =	sadd.s32 @!p0 s3, s7;
	s7 =	simm.s32 @!p0 $0x108  }
0x21: {  	s3 =	sadd.s32 s3, s9;
	s6 =	sadd.s32 @!p0 $0x88, s6;
	s7 =	simm.s32 @p2 $0x1082  }
0x22: {  	[simem:s7], [sflag:s8] =	dma.local @!p0 [hbm:s6], $0xF7A  }
0x23: {  	s9 =	sor.u32 $0xD0000000, s2;
	s6 =	simm.s32 $0x108;
	_ =	swait.ge @!p0 [sflag:s8], $0x0  }
0x24: {  	s3 =	sadd.s32 $0x88, s3;
	s6 =	simm.s32 @!p1 $0x1082;
	[sflag:s4] =	ssyncset.s32 $0xFFFFF086  }
0x25: {  	[simem:s6], [sflag:s4] =	dma.local [hbm:s3], $0xF7A  }
0x26: {  	[smem:$0x3F9A] =	sst s1;
	(tag) =	ssettag s2;
	_ =	strace s9  }
0x27: {  	s1 =	sld [smem:$0x3FAA]  }
0x28: {  	s2 =	sld [smem:$0x3FAB]  }
0x29: {  	s4 =	sld [smem:$0x3FAD]  }
0x2a: {  	p0 =	seq.s32 s5, $0x0;
	s5 =	sld [smem:$0x3FAE]  }
0x2b: {  	s6 =	sld [smem:$0x3FAF]  }
0x2c: {  	s7 =	sld [smem:$0x3FB0]  }
0x2d: {  	s3 =	simm.s32 $0x108;
	s8 =	sld [smem:$0x3FB1]  }
0x2e: {  	s3 =	simm.s32 @!p0 $0x1082;
	s9 =	sld [smem:$0x3FB2]  }
0x2f: {  	lr =	sadd.s32 s0, s3;
	s0 =	sld [smem:$0x3FA9]  }
0x30: {  	s3 =	sld [smem:$0x3FAC]  }
0x31: {  	[smem:$0x3FB5] =	sst s10  }
0x32: {  	s10 =	sld [smem:$0x3FB3];
	_ =	sdelay $0x3  }
0x33: {  	p0 =	seq.s32 s10, $0x1;
	s10 =	sld [smem:$0x3FB5];
	_ =	sdelay $0x3  }
0x34: {  	[smem:$0x3FB5] =	sst s10  }
0x35: {  	s10 =	sld [smem:$0x3FB4];
	_ =	sdelay $0x3  }
0x36: {  	p1 =	seq.s32 s10, $0x1;
	s10 =	sld [smem:$0x3FB5];
	_ =	sdelay $0x3  }
0x37: {  	[smem:$0x3FB5] =	sst s10  }
0x38: {  	s10 =	sld [smem:$0x3FB6]  }
0x39: {  	_ = 	snop;
	(pc) =	sbr.ind lr, $3  }
0x3a: {  	_ = 	snop  }
0x3b: {  	_ = 	snop  }
0x3c: {  	p2 =	seq.s32 s10, $0x1;
	s10 =	sld [smem:$0x3FB5]  }
0x3d: {  	_ =	shalt  }
0x3e: {  	_ =	shalt  }
0x3f: {  	_ =	shalt  }
0x40: {  	_ =	shalt  }
0x41: {  	_ =	shalt  }
0x42: {  	_ =	shalt  }
0x43: {  	_ =	shalt  }
0x44: {  	_ =	shalt  }
0x45: {  	_ =	shalt  }
0x46: {  	_ =	shalt  }
0x47: {  	_ =	shalt  }
0x48: {  	_ =	shalt  }
0x49: {  	_ =	shalt  }
0x4a: {  	_ =	shalt  }
0x4b: {  	_ =	shalt  }
0x4c: {  	_ =	shalt  }
0x4d: {  	_ =	shalt  }
0x4e: {  	_ =	shalt  }
0x4f: {  	_ =	shalt  }
0x50: {  	_ =	shalt  }
0x51: {  	_ =	shalt  }
0x52: {  	_ =	shalt  }
0x53: {  	_ =	shalt  }
0x54: {  	_ =	shalt  }
0x55: {  	_ =	shalt  }
0x56: {  	_ =	shalt  }
0x57: {  	_ =	shalt  }
0x58: {  	_ =	shalt  }
0x59: {  	_ =	shalt  }
0x5a: {  	_ =	shalt  }
0x5b: {  	_ =	shalt  }
0x5c: {  	_ =	shalt  }
0x5d: {  	_ =	shalt  }
0x5e: {  	_ =	shalt  }
0x5f: {  	_ =	shalt  }
0x60: {  	_ =	shalt  }
0x61: {  	_ =	shalt  }
0x62: {  	_ =	shalt  }
0x63: {  	_ =	shalt  }
0x64: {  	_ =	shalt  }
0x65: {  	_ =	shalt  }
0x66: {  	_ =	shalt  }
0x67: {  	_ =	shalt  }
0x68: {  	_ =	shalt  }
0x69: {  	_ =	shalt  }
0x6a: {  	_ =	shalt  }
0x6b: {  	_ =	shalt  }
0x6c: {  	_ =	shalt  }
0x6d: {  	_ =	shalt  }
0x6e: {  	_ =	shalt  }
0x6f: {  	_ =	shalt  }
0x70: {  	_ =	shalt  }
0x71: {  	_ =	shalt  }
0x72: {  	_ =	shalt  }
0x73: {  	_ =	shalt  }
0x74: {  	_ =	shalt  }
0x75: {  	_ =	shalt  }
0x76: {  	_ =	shalt  }
0x77: {  	_ =	shalt  }
0x78: {  	_ =	shalt  }
0x79: {  	_ =	shalt  }
0x7a: {  	_ =	shalt  }
0x7b: {  	_ =	shalt  }
0x7c: {  	_ =	shalt  }
0x7d: {  	_ =	shalt  }
0x7e: {  	_ =	shalt  }
0x7f: {  	_ =	shalt  }
0x80: {  	_ =	shalt  }
0x81: {  	_ =	shalt  }
0x82: {  	_ =	shalt  }
0x83: {  	_ =	shalt  }
0x84: {  	_ =	shalt  }
0x85: {  	_ =	shalt  }
0x86: {  	_ =	shalt  }
0x87: {  	_ =	shalt  }
.Lfunc_end0:
.L_simem_size_0:
called_computation.1_lowered:
.L_overlay_start_0:
0x88: {  	s2 =	sld [smem:$0x3FD9]  }
0x89: {  	s3 =	sld [smem:$0x3FFE];
	_ =	sdelay $0x1  }
0x8a: {  	s1 =	srdreg.scid  }
0x8b: {  	s0 =	sand.u32 $0x1, s1  }
0x8c: {  	s15 =	sshll.u32 s0, $0xA;
	s2 =	sadd.s32 s3, s2  }
0x8d: {  	s2 =	sadd.s32 s2, s15  }
0x8e: {  	[smem:$0x3FC1] =	sst s2  }
0x8f: {  	_ = 	snop  }
0x90: {  	s2 =	sld [smem:$0x3FD0];
	_ =	sdelay $0x2  }
0x91: {  	s16 =	simm.s32 $0xB;
	s4 =	simm.s32 $0x10  }
0x92: {  	[smem:s4], [sflag:s16] =	dma.local [hbm:s2], $0x1  }
0x93: {  	_ =	swait.eq [sflag:s16], $0x1  }
0x94: {  	[sflag:s16] =	ssyncset.done $0x0  }
0x95: {  	[sflag:s16] =	ssyncadd.s32 $0xFFFFFFFF  }
0x96: {  	s17 =	sld [smem:$0x10];
	(tm) =	ssettm $0x1  }
0x97: {  	s18 =	sld [smem:$0x3FFB];
	_ =	sdelay $0x3  }
0x98: {  	_ =	strace s18  }
0x99: {  	s2 =	sld [smem:$0x3FFC];
	_ =	sdelay $0x3  }
0x9a: {  	_ =	strace s2  }
0x9b: {  	s2 =	sld [smem:$0x3FFD];
	_ =	sdelay $0x3  }
0x9c: {  	_ =	strace s2  }
0x9d: {  	_ =	strace $0x8FFFFFFF  }
0x9e: {  	s19 =	sld [smem:$0x3FDB];
	_ =	sdelay $0x1  }
0x9f: {  	s20 =	simm.s32 $_scs_section_size  }
0xa0: {  	s5 =	simm.s32 $_size__tile_overlayer_lowered;
	s6 =	simm.s32 $_tile_overlayer_lowered  }
0xa1: {  	s7 =	simm.s32 $0x1BFF;
	s21 =	sshll.u32 s6, $0x1;
	s4 =	sadd.s32 s20, s19  }
0xa2: {  	s22 =	simm.s32 $0x0;
	s5 =	sshll.u32 s5, $0x1;
	s6 =	sadd.s32 s21, s4  }
0xa3: {  	[timem:s22], [sflag:s7] =	dma.local [hbm:s6], s5  }
0xa4: {  	_ =	swait.ge [sflag:s7], s5  }
0xa5: {  	s5 =	ssub.s32 $0x0, s5;
	[sflag:s7] =	ssyncset.done $0x0  }
0xa6: {  	[sflag:s7] =	ssyncadd.s32 s5;
	_ =	sdelay $0x1  }
0xa7: {  	s23 =	simm.s32 $0x1B8B  }
0xa8: {  	_ =	swait.ge [sflag:s23], $0x1  }
0xa9: {  	[sflag:s23] =	ssyncset.done $0x0  }
0xaa: {  	[sflag:s23] =	ssyncadd.s32 $0xFFFFFFFF  }
0xab: {  	s5 =	sld [smem:$0x0]  }
0xac: {  	s6 =	sand.u32 $0xFFFFFFFE, s1  }
0xad: {  	p0 =	sne.s32 s1, s6  }
0xae: {  	s6 =	sshll.u32 @p0 s6, $0xE  }
0xaf: {  	s6 =	sadd.s32 @p0 $0x11B8D, s6;
	s7 =	sshll.u32 @p0 s5, $0x11  }
0xb0: {  	s6 =	sor.u32 @p0 s7, s6  }
0xb1: {  	[sflag:s6] =	ssyncadd.remote.s32 @p0 $0x1;
	_ =	sdelay $0x1  }
0xb2: {  	s6 =	simm.s32 @p0 $0x1B8D  }
0xb3: {  	_ =	swait.eq @p0 [sflag:s6], $0x1  }
0xb4: {  	[sflag:s6] =	ssyncadd.s32 @p0 $0xFFFFFFFF  }
0xb5: {  	s7 =	sshll.u32 @!p0 s1, $0xE  }
0xb6: {  	s7 =	sor.u32 @!p0 $0x4000, s7;
	s6 =	simm.s32 @!p0 $0x1B8D  }
0xb7: {  	s5 =	sshll.u32 @!p0 s5, $0x11;
	s7 =	sadd.s32 @!p0 $0x11B8D, s7;
	_ =	swait.eq @!p0 [sflag:s6], $0x1  }
0xb8: {  	s5 =	sor.u32 @!p0 s5, s7;
	[sflag:s6] =	ssyncadd.s32 @!p0 $0xFFFFFFFF  }
0xb9: {  	s25 =	simm.s32 $0x1B8E;
	s24 =	sld [smem:$0x3FFE];
	[sflag:s5] =	ssyncadd.remote.s32 @!p0 $0x1  }
0xba: {  	s26 =	simm.s32 $execute0_lowered;
	[smem:$0x3FD2] =	sst s25  }
0xbb: {  	s6 =	sshll.u32 s26, $0x1;
	_ =	strace $0x80000049;
	[dreg:$0x1] =	wrdreg $0xFFFFFFFF  }
0xbc: {  	s28 =	simm.s32 $_size_execute0_lowered;
	s4 =	sadd.s32 s4, s6;
	[dreg:$0x0] =	wrdreg $0x0  }
0xbd: {  	s6 =	sshll.u32 s28, $0x1;
	[dreg:$0x2] =	wrdreg s4  }
0xbe: {  	[dreg:$0x3] =	wrdreg s6  }
0xbf: {  	[dreg:$0x4] =	wrdreg $0xC0  }
0xc0: {  	_ =	task [dreg:s22], $0x5FFFF  }
0xc1: {  	[dreg:$0x1] =	wrdreg $0xFFFFFFFF  }
0xc2: {  	[dreg:$0x0] =	wrdreg $0x60  }
0xc3: {  	[dreg:$0x2] =	wrdreg s17  }
0xc4: {  	[dreg:$0x3] =	wrdreg s24  }
0xc5: {  	[dreg:$0x4] =	wrdreg $0xA  }
0xc6: {  	_ =	task.clear_ibuf [dreg:s22], $0x5FFFF;
	_ =	strace $0x90000049  }
0xc7: {  	s29 =	simm.s32 $0xA;
	_ =	strace $0x8000004B  }
0xc8: {  	_ =	swait.ge [sflag:s29], $0x1  }
0xc9: {  	[sflag:s29] =	ssyncadd.s32 $0xFFFFFFFF  }
0xca: {  	_ =	strace $0x9000004B  }
0xcb: {  	_ =	sfence  }
0xcc: {  	s30 =	sld [smem:$0x0];
	_ =	sdelay $0x2  }
0xcd: {  	s31 =	sshll.u32 s1, $0xD;
	s1 =	sshrl.u32 s1, $0x2  }
0xce: {  	s4 =	sand.u32 $0x4000, s31;
	s1 =	sadd.s32 s1, s30  }
0xcf: {  	s0 =	sor.u32 s4, s0;
	s1 =	sshll.u32 s1, $0x11  }
0xd0: {  	s0 =	sor.u32 s1, s0  }
0xd1: {  	s0 =	sadd.s32 $0x8F2B, s0  }
0xd2: {  	[sflag:s0] =	ssyncadd.remote.s32 $0x1  }
0xd3: {  	_ =	sfence.sel $0xFFFF  }
0xd4: {  	[dreg:$0x0] =	wrdreg $0xFFFFFFFF;
	(pc) =	sbr.abs _section_cstart, $3  }
0xd5: {  	[dreg:$0x1] =	wrdreg $0xFFFFFFFF  }
0xd6: {  	_ =	task.clear_ibuf [dreg:s22], $0x2FFFF;
	_ =	strace $0x9FFFFFFF  }
0xd7: {  	(tm) =	ssettm $0x7FFFFFFF  }
tec
execute0_lowered:
.L_overlay_start_1:
0x0: {  	(tag) =	ssettag $0x1  }
0x1: {  	s0 =	srdreg.scid  }
0x2: {  	s1 =	stileid.u32;
	s2 =	rddreg [dreg:$0x1]  }
0x3: {  	s3 =	simm.s32 $0x0;
	s8 =	simm.s32 $0x1;
	s16 =	simm.s32 $0x7  }
0x4: {  	s17 =	simm.s32 $0x2780;
	s18 =	simm.s32 $0x4F00;
	s19 =	simm.s32 $0x11480  }
0x5: {  	s28 =	simm.s32 $0x14A80;
	s0 =	sand.u32 $0x1, s0;
	s1 =	sshll.u32 s1, $0x1  }
0x6: {  	[smem:$0x7FF] =	sst s3;
	s6 =	sadd.s32 $0x1A00, s2;
	s20 =	sadd.s32 $0x2000, s2  }
0x7: {  	s1 =	sor.u32 s0, s1;
	_ =	strace $0x8000004A;
	[dreg:$0x3] =	wrdreg s6  }
0x8: {  	s21 =	sadd.s32 $0x2600, s2;
	[dreg:$0x4] =	wrdreg s20;
	s4 =	smul.u32 $0x9D, s1  }
0x9: {  	s29 =	simm.s32 $0x16C80;
	s9 =	sadd.s32 $0x2E00, s2;
	[dreg:$0x5] =	wrdreg s21  }
0xa: {  	s0 =	ssub.s32 $0x2, s0;
	s20 =	simm.s32 $0x12880;
	s5 =	smin.u32 s4, $0x12EB  }
0xb: {  	s21 =	simm.s32 $0x40;
	s30 =	smul.u32 $0x27400, s1;
	s7 =	sadd.s32 $0x9D, s5  }
0xc: {  	s1 =	smul.u32 $0x13A000, s1;
	s31 =	sshrl.u32 s0, $0x1;
	s22 =	ssub.s32 s7, s4  }
0xd: {  	s0 =	ssub.s32 s0, s31;
	s23 =	sadd.s32 $0x1, s22;
	p0 =	slt.u32 s22, $0x7FFFFFFF  }
0xe: {  	s12 =	sshra.s32 s22, $0x1F;
	s13 =	sand.u32 $0x8000, s22;
	s26 =	sand.u32 $0x1, s22  }
0xf: {  	s10 =	sand.u32 $0x8000, s23;
	s11 =	sshra.s32 s23, $0x1F;
	s8 =	simm.s32 @!p0 $0x0  }
0x10: {  	s24 =	sand.u32 $0x1, s23;
	s13 =	sshrl.u32 s13, $0xF;
	p6 =	seq.s32 s26, $0x1  }
0x11: {  	s10 =	sshrl.u32 s10, $0xF;
	s8 =	sadd.s32 s8, s11;
	p1 =	seq.s32 s24, $0x1  }
0x12: {  	s11 =	sadd.s32 $0x2A000, s2;
	s6 =	sadd.s32 s10, s23;
	p4 =	sne.s32 s8, $0x1  }
0x13: {  	s8 =	simm.s32 $0x1;
	p0 =	por !p4, !p1;
	p1 =	sne.s32 s7, s4  }
0x14: {  	s5 =	sadd.s32 s13, s22;
	s6 =	sshll.u32 s6, $0x10;
	s8 =	simm.s32 @!p1 $0x0  }
0x15: {  	s10 =	sadd.s32 $0x78200, s2;
	s25 =	sshra.s32 s6, $0x11;
	s8 =	sor.u32 s8, s12  }
0x16: {  	p0 =	por !p0, !p0;
	s6 =	simm.s32 $0x1;
	p5 =	sne.s32 s8, $0x1  }
0x17: {  	s5 =	sshll.u32 s5, $0x10;
	s6 =	simm.s32 @!p0 $0x0;
	p0 =	por !p5, !p6  }
0x18: {  	s2 =	ssub.s32 s25, s6;
	s6 =	simm.s32 $0x1;
	p0 =	por !p0, !p0  }
0x19: {  	s0 =	smax.u32 s0, $0x1;
	s5 =	sshra.s32 s5, $0x11;
	s6 =	simm.s32 @!p0 $0x0  }
0x1a: {  	[dreg:$0x8] =	wrdreg s0;
	s2 =	sshll.u32 s2, $0xB;
	s5 =	ssub.s32 s5, s6  }
0x1b: {  	s26 =	simm.s32 $0x12A00;
	s2 =	sadd.s32 s2, s30;
	s5 =	sshll.u32 s5, $0xE  }
.Ltmp0:
0x1c: {  	s2 =	sadd.s32 $0x1FFFF800, s2;
	s1 =	sadd.s32 s5, s1;
	(pc) =	sbr.rel .LBB2_1-.Ltmp0, $4  }
0x1d: {  	s22 =	simm.s32 $0x12980;
	s2 =	sand.u32 $0x1FFFFC00, s2;
	s1 =	sadd.s32 $0xFFFFE000, s1  }
0x1e: {  	s24 =	simm.s32 $0x16A80;
	s2 =	sadd.s32 s10, s2;
	s1 =	sshrl.u32 s1, $0x3  }
0x1f: {  	v0 =	vimm.s32 $0x1;
	v1 =	vlaneseq.u32;
	v2 =	vimm.f32 $0.0e+00;
	s23 =	simm.s32 $0x12A80;
	[dreg:$0x6] =	wrdreg s2;
	s1 =	sadd.s32 s10, s1  }
0x20: {  	v3 =	vor.u32 $0x10, v1;
	v4 =	vor.u32 $0x20, v1;
	v5 =	vor.u32 $0x30, v1;
	s25 =	simm.s32 $0x12900;
	s5 =	simm.s32 $0x0;
	[dreg:$0x7] =	wrdreg s1  }
.LBB2_13:
0x21: {  	s0 =	simm.s32 $0x1  }
0x22: {  	_ =	swait.ge [sflag:s0], $0x2000  }
0x23: {  	[sflag:s0] =	ssyncset.done $0x0  }
0x24: {  	s12 =	simm.s32 $0x3;
	s8 =	rddreg [dreg:$0x6];
	[sflag:s0] =	ssyncadd.s32 $0xFFFFE000  }
0x25: {  	[hbm4b:s8+s3] =	stream.linear.scatter [tilespmem:s23], [sflag:$0x5], $0x2000, $0x38;
	[tilespmem:$0x16E80] =	vst v63  }
0x26: {  	_ =	swait.ge [sflag:s12], $0x200  }
0x27: {  	[sflag:s12] =	ssyncset.done $0x0  }
0x28: {  	s13 =	simm.s32 $0x5;
	[sflag:s12] =	ssyncadd.s32 $0xFFFFFE00  }
0x29: {  	_ =	swait.ge [sflag:s13], $0x2000  }
0x2a: {  	[sflag:s13] =	ssyncset.done $0x0  }
0x2b: {  	s14 =	simm.s32 $0x2;
	[sflag:s13] =	ssyncadd.s32 $0xFFFFE000  }
0x2c: {  	_ =	swait.ge [sflag:s14], $0x2000  }
0x2d: {  	[sflag:s14] =	ssyncset.done $0x0  }
0x2e: {  	s30 =	simm.s32 $0x4;
	s15 =	rddreg [dreg:$0x7];
	[sflag:s14] =	ssyncadd.s32 $0xFFFFE000  }
0x2f: {  	[hbm4b:s15+s3] =	stream.linear.scatter [tilespmem:s28], [sflag:$0x6], $0x2000, $0x38;
	[tilespmem:$0x16E80] =	vst v63  }
0x30: {  	_ =	swait.ge [sflag:s30], $0x200  }
0x31: {  	[sflag:s30] =	ssyncset.done $0x0  }
0x32: {  	s1 =	simm.s32 $0x6;
	[sflag:s30] =	ssyncadd.s32 $0xFFFFFE00  }
0x33: {  	_ =	swait.ge [sflag:s1], $0x2000  }
0x34: {  	s5 =	sadd.s32 $0x1, s5;
	s31 =	rddreg [dreg:$0x8]  }
0x35: {  	p0 =	sne.s32 s5, s31  }
.Ltmp1:
0x36: {  	_ = 	snop;
	(pc) =	sbr.rel @!p0 .LBB2_14-.Ltmp1, $3  }
0x37: {  	_ =	sdelay $0x1  }
0x38: {  	[sflag:s1] =	ssyncset.done $0x0  }
0x39: {  	[sflag:s1] =	ssyncadd.s32 $0xFFFFE000  }
.LBB2_1:
0x3a: {  	s0 =	rddreg [dreg:$0x0]  }
0x3b: {  	[tilespmem:s3], [sflag:$0x7] =	stream.linear.gather [hbm4b:s0+s3], $0x2780, $0x38;
	[tilespmem:$0x16E80] =	vst v63  }
0x3c: {  	_ =	swait.ge [sflag:s16], $0x2780  }
0x3d: {  	[sflag:s16] =	ssyncset.done $0x0  }
0x3e: {  	s15 =	rddreg [dreg:$0x3];
	[sflag:s16] =	ssyncadd.s32 $0xFFFFD880  }
0x3f: {  	[tilespmem:s17], [sflag:$0x7] =	stream.linear.gather [hbm4b:s15+s3], $0x2780, $0x38;
	[tilespmem:$0x16E80] =	vst v63  }
0x40: {  	_ =	swait.ge [sflag:s16], $0x2780  }
0x41: {  	[sflag:s16] =	ssyncset.done $0x0  }
0x42: {  	s30 =	rddreg [dreg:$0x4];
	[sflag:s16] =	ssyncadd.s32 $0xFFFFD880  }
0x43: {  	[tilespmem:s18], [sflag:$0x7] =	stream.linear.gather [hbm4b:s30+s3], $0x2780, $0x38;
	[tilespmem:$0x16E80] =	vst v63  }
0x44: {  	_ =	swait.ge [sflag:s16], $0x2780  }
0x45: {  	[sflag:s16] =	ssyncset.done $0x0  }
0x46: {  	s31 =	rddreg [dreg:$0x5];
	[sflag:s16] =	ssyncadd.s32 $0xFFFFD880  }
0x47: {  	[tilespmem:s19], [sflag:$0x7] =	stream.linear.gather [hbm4b:s31+s3], $0x1400, $0x38;
	[tilespmem:$0x16E80] =	vst v63  }
0x48: {  	_ =	swait.ge [sflag:s16], $0x1400  }
0x49: {  	[sflag:s16] =	ssyncset.done $0x0  }
0x4a: {  	s0 =	simm.s32 $0x0;
	[sflag:s16] =	ssyncadd.s32 $0xFFFFEC00  }
0x4b: {  	v6 =	vld [tilespmem:s0+$0x0]  }
0x4c: {  	v7 =	vld [tilespmem:s0+$0x2780]  }
0x4d: {  	v10 =	vld [tilespmem:s0+$0x4F00];
	_ =	sdelay $0x3  }
0x4e: {  	s1 =	simm.s32 $0x10;
	v9 =	vmul.f32 v6, v6;
	v11 =	vmul.f32 v7, v7;
	v12 =	vshrl.u32 v6, $0x10  }
0x4f: {  	v8 =	vld [tilespmem:s1+$0x0];
	v13 =	vshrl.u32 v7, $0x10;
	v14 =	vmul.f32 v10, v10;
	v15 =	vshrl.u32 v10, $0x10  }
0x50: {  	v12 =	vand.u32 $0x1, v12;
	v13 =	vand.u32 $0x1, v13;
	v11 =	vadd.f32 v11, v9;
	v9 =	vld [tilespmem:s1+$0x2780]  }
0x51: {  	v12 =	vadd.s32 v12, v6;
	v7 =	vadd.s32 v13, v7;
	v13 =	vand.u32 $0x1, v15  }
0x52: {  	v6 =	vld [tilespmem:s1+$0x4F00];
	v12 =	vadd.s32 $0x7FFF, v12;
	v10 =	vadd.s32 v13, v10  }
0x53: {  	v7 =	vadd.s32 $0x7FFF, v7;
	v11 =	vadd.f32 v14, v11;
	v12 =	vand.u32 $0xFFFF0000, v12  }
0x54: {  	v13 =	vshrl.u32 v8, $0x10;
	v10 =	vadd.s32 $0x7FFF, v10;
	v15 =	vand.u32 $0xFFFF0000, v7;
	[tilespmem:s0+$0x7680] =	vst v12  }
0x55: {  	s6 =	simm.s32 $0x20;
	[tilespmem:s0+$0xED00] =	vst v11;
	v11 =	vmul.f32 v8, v8;
	v12 =	vshrl.u32 v9, $0x10;
	v14 =	vmul.f32 v9, v9  }
0x56: {  	s8 =	simm.s32 $0xC0;
	v13 =	vand.u32 $0x1, v13;
	v10 =	vand.u32 $0xFFFF0000, v10;
	v7 =	vld [tilespmem:s6+$0x0];
	[tilespmem:s0+$0x9E00] =	vst v15;
	v12 =	vand.u32 $0x1, v12  }
.LBB2_2:
0x57: {  	p0 =	sne.s32 s8, $0x9CC0;
	v15 =	vld [tilespmem:s6+$0x2780];
	v11 =	vadd.f32 v14, v11;
	v14 =	vmul.f32 v6, v6;
	v16 =	vshrl.u32 v6, $0x10;
	[tilespmem:s0+$0xC580] =	vst v10;
	s0 =	smov.u32 s1;
	s1 =	smov.u32 s6  }
0x58: {  	v8 =	vadd.s32 v13, v8;
	v9 =	vadd.s32 v12, v9;
	v10 =	vand.u32 $0x1, v16  }
.Ltmp2:
0x59: {  	v17 =	vadd.s32 $0x7FFF, v8;
	v11 =	vadd.f32 v14, v11;
	v10 =	vadd.s32 v10, v6;
	v6 =	vld [tilespmem:s1+$0x4F00];
	(pc) =	sbr.rel @p0 .LBB2_2-.Ltmp2, $4  }
0x5a: {  	v12 =	vand.u32 $0xFFFF0000, v17;
	v14 =	vadd.s32 $0x7FFF, v9;
	v18 =	vadd.s32 $0x7FFF, v10  }
0x5b: {  	v16 =	vand.u32 $0xFFFF0000, v14;
	v13 =	vshrl.u32 v7, $0x10;
	[tilespmem:s0+$0xED00] =	vst v11;
	v10 =	vand.u32 $0xFFFF0000, v18;
	v8 =	vmovc v7  }
0x5c: {  	s6 =	sshra.s32 s8, $0x2;
	v11 =	vmul.f32 v7, v8;
	v14 =	vmul.f32 v15, v15;
	v17 =	vshrl.u32 v15, $0x10;
	[tilespmem:s0+$0x7680] =	vst v12;
	v9 =	vmovc v15  }
0x5d: {  	s8 =	sadd.s32 $0x40, s8;
	v13 =	vand.u32 $0x1, v13;
	v7 =	vld [tilespmem:s6+$0x0];
	v12 =	vand.u32 $0x1, v17;
	[tilespmem:s0+$0x9E00] =	vst v16  }
0x5e: {  	v15 =	vld [tilespmem:s6+$0x2780];
	v11 =	vadd.f32 v14, v11;
	[tilespmem:s0+$0xC580] =	vst v10;
	v51 =	vmul.f32 v6, v6  }
0x5f: {  	v52 =	vshrl.u32 v6, $0x10;
	v8 =	vadd.s32 v13, v8;
	v9 =	vadd.s32 v12, v9;
	v53 =	vld [tilespmem:s6+$0x4F00]  }
0x60: {  	v54 =	vand.u32 $0x1, v52;
	v8 =	vadd.s32 $0x7FFF, v8;
	v9 =	vadd.s32 $0x7FFF, v9  }
0x61: {  	v10 =	vadd.f32 v51, v11;
	v6 =	vadd.s32 v54, v6;
	v8 =	vand.u32 $0xFFFF0000, v8  }
0x62: {  	v9 =	vand.u32 $0xFFFF0000, v9;
	v6 =	vadd.s32 $0x7FFF, v6;
	v55 =	vmul.f32 v7, v7  }
0x63: {  	v57 =	vshrl.u32 v7, $0x10;
	v6 =	vand.u32 $0xFFFF0000, v6;
	v56 =	vmul.f32 v15, v15  }
0x64: {  	[tilespmem:s1+$0x7680] =	vst v8;
	v58 =	vshrl.u32 v15, $0x10;
	v60 =	vand.u32 $0x1, v57;
	v59 =	vmul.f32 v53, v53  }
0x65: {  	[tilespmem:s1+$0xED00] =	vst v10;
	v10 =	vand.u32 $0x1, v58;
	v61 =	vshrl.u32 v53, $0x10;
	v7 =	vadd.s32 v60, v7  }
0x66: {  	[tilespmem:s1+$0xC580] =	vst v6;
	v11 =	vadd.f32 v56, v55;
	v6 =	vadd.s32 v10, v15;
	v7 =	vadd.s32 $0x7FFF, v7  }
.Ltmp3:
0x67: {  	[tilespmem:s1+$0x9E00] =	vst v9;
	v9 =	vand.u32 $0x1, v61;
	v7 =	vand.u32 $0xFFFF0000, v7;
	v6 =	vadd.s32 $0x7FFF, v6;
	(pc) =	sbr.rel .LBB2_4-.Ltmp3, $4  }
0x68: {  	v9 =	vadd.s32 v9, v53;
	v62 =	vadd.f32 v59, v11;
	v6 =	vand.u32 $0xFFFF0000, v6;
	[tilespmem:s6+$0x7680] =	vst v7  }
0x69: {  	v63 =	vadd.s32 $0x7FFF, v9;
	[tilespmem:s6+$0x9E00] =	vst v6  }
0x6a: {  	v7 =	vand.u32 $0xFFFF0000, v63;
	[tilespmem:s6+$0xED00] =	vst v62  }
0x6b: {  	[tilespmem:s6+$0xC580] =	vst v7;
	s6 =	simm.s32 $0x0  }
.LBB2_11:
0x6c: {  	v9 =	vld [tilespmem:$0x12900]  }
0x6d: {  	p1 =	slt.s32 s0, $0x40  }
0x6e: {  	s0 =	simm.s32 @!p1 $0x40  }
0x6f: {  	v10 =	vmov s0  }
0x70: {  	vm0 =	vgt.s32 v10, v1  }
0x71: {  	v9 =	vnsel vm0, $0x0, v9;
	_ =	sdelay $0x3  }
0x72: {  	v13 =	vld [tilespmem:$0x12910];
	[tilespmem:$0x12A00] =	vst v9  }
0x73: {  	v11 =	vld.idx.msk [tilespmem:v9+s3+$0x0], $0xffff  }
0x74: {  	v12 =	vld.idx.msk [tilespmem:v9+s17+$0x0], $0xffff  }
0x75: {  	v9 =	vld.idx.msk [tilespmem:v9+s18+$0x0], $0xffff;
	_ =	sdelay $0x1  }
0x76: {  	vm1 =	vgt.s32 v10, v3;
	v53 =	vsel vm0, $0x3F800000, v2  }
0x77: {  	v52 =	vnsel vm1, $0x0, v13;
	[tilespmem:$0x16E00] =	vst v53;
	v11 =	vsub.f32 v11, v7  }
0x78: {  	[tilespmem:$0x12A10] =	vst v52;
	v12 =	vsub.f32 v12, v8  }
0x79: {  	v9 =	vsub.f32 v9, v6;
	[tilespmem:$0x16C80] =	vst v11  }
0x7a: {  	[tilespmem:$0x16D00] =	vst v12  }
0x7b: {  	v54 =	vld [tilespmem:$0x12920];
	[tilespmem:$0x16D80] =	vst v9  }
0x7c: {  	v9 =	vld.idx.msk [tilespmem:v52+s3+$0x0], $0xffff  }
0x7d: {  	v12 =	vld.idx.msk [tilespmem:v52+s17+$0x0], $0xffff  }
0x7e: {  	v11 =	vld.idx.msk [tilespmem:v52+s18+$0x0], $0xffff;
	_ =	sdelay $0x1  }
0x7f: {  	vm14 =	vgt.s32 v10, v4;
	v57 =	vsel vm1, $0x3F800000, v2  }
0x80: {  	v56 =	vnsel vm14, $0x0, v54;
	[tilespmem:$0x16E10] =	vst v57;
	v9 =	vsub.f32 v9, v7  }
0x81: {  	[tilespmem:$0x12A20] =	vst v56;
	v12 =	vsub.f32 v12, v8  }
0x82: {  	v55 =	vsub.f32 v11, v6;
	[tilespmem:$0x16C90] =	vst v9  }
0x83: {  	[tilespmem:$0x16D10] =	vst v12  }
0x84: {  	v58 =	vld [tilespmem:$0x12930];
	[tilespmem:$0x16D90] =	vst v55  }
0x85: {  	v9 =	vld.idx.msk [tilespmem:v56+s3+$0x0], $0xffff  }
0x86: {  	v12 =	vld.idx.msk [tilespmem:v56+s17+$0x0], $0xffff  }
0x87: {  	v11 =	vld.idx.msk [tilespmem:v56+s18+$0x0], $0xffff;
	_ =	sdelay $0x1  }
0x88: {  	vm15 =	vgt.s32 v10, v5;
	v62 =	vsel vm14, $0x3F800000, v2  }
0x89: {  	v61 =	vnsel vm15, $0x0, v58;
	[tilespmem:$0x16E20] =	vst v62;
	v9 =	vsub.f32 v9, v7  }
0x8a: {  	[tilespmem:$0x12A30] =	vst v61;
	v59 =	vsub.f32 v12, v8  }
0x8b: {  	v60 =	vsub.f32 v11, v6;
	[tilespmem:$0x16CA0] =	vst v9  }
0x8c: {  	[tilespmem:$0x16D20] =	vst v59  }
0x8d: {  	[tilespmem:$0x16DA0] =	vst v60  }
0x8e: {  	v9 =	vld.idx.msk [tilespmem:v61+s3+$0x0], $0xffff  }
0x8f: {  	v10 =	vld.idx.msk [tilespmem:v61+s17+$0x0], $0xffff  }
0x90: {  	v11 =	vld.idx.msk [tilespmem:v61+s18+$0x0], $0xffff;
	_ =	sdelay $0x2  }
0x91: {  	v7 =	vsub.f32 v9, v7  }
0x92: {  	v63 =	vsub.f32 v10, v8  }
0x93: {  	v6 =	vsub.f32 v11, v6;
	[tilespmem:$0x16CB0] =	vst v7  }
0x94: {  	[tilespmem:$0x16D30] =	vst v63  }
0x95: {  	[tilespmem:$0x16DB0] =	vst v6;
	v6 =	vsel vm15, $0x3F800000, v2  }
0x96: {  	s0 =	simm.s32 @!p0 $0x6;
	[tilespmem:$0x16E30] =	vst v6  }
0x97: {  	_ =	swait.ge @!p0 [sflag:s0], $0x2000  }
0x98: {  	s31 =	sshll.u32 s8, $0x6;
	[sflag:s0] =	ssyncset.done @!p0 $0x0  }
0x99: {  	[sflag:s0] =	ssyncadd.s32 @!p0 $0xFFFFE000;
	s0 =	sand.u32 $0x1FFFFFC0, s31  }
0x9a: {  	[tilespmem:s28], [sflag:$0x2] =	stream.indirect.gather [hbm4b:s9+s21], $0x80, s26, s21, $0xb8;
	[tilespmem:$0x16E80] =	vst v63  }
0x9b: {  	s0 =	sadd.s32 s11, s0  }
0x9c: {  	[hbm4b:s0+s3] =	stream.linear.scatter [tilespmem:s29], [sflag:$0x4], $0x200, $0x38;
	[tilespmem:$0x16E80] =	vst v63  }
.LBB2_12:
0x9d: {  	s6 =	sadd.s32 $0x1, s6  }
0x9e: {  	p0 =	sne.s32 s6, $0x4F  }
.Ltmp4:
0x9f: {  	_ = 	snop;
	(pc) =	sbr.rel @!p0 .LBB2_13-.Ltmp4, $1  }
0xa0: {  	_ =	sdelay $0x3  }
.LBB2_4:
0xa1: {  	s8 =	sshll.u32 s6, $0x1  }
0xa2: {  	s13 =	sadd.s32 s4, s8  }
0xa3: {  	p1 =	sge.u32 s13, s7  }
.Ltmp5:
0xa4: {  	_ = 	snop;
	(pc) =	sbr.rel @p1 .LBB2_8-.Ltmp5, $2  }
0xa5: {  	_ =	sdelay $0x2  }
0xa6: {  	p0 =	seq.s32 s6, $0x0  }
0xa7: {  	s0 =	simm.s32 @!p0 $0x1  }
0xa8: {  	s1 =	sshll.u32 @!p0 s13, $0xD;
	_ =	swait.ge @!p0 [sflag:s0], $0x2000  }
0xa9: {  	s1 =	sadd.s32 @!p0 $0xFFFFC000, s1;
	[sflag:s0] =	ssyncset.done @!p0 $0x0  }
0xaa: {  	[sflag:s0] =	ssyncadd.s32 @!p0 $0xFFFFE000;
	s0 =	sshrl.u32 @!p0 s1, $0x3  }
0xab: {  	s12 =	simm.s32 @!p0 $0x12A80;
	s1 =	simm.s32 @!p0 $0x0;
	s0 =	sadd.s32 @!p0 s10, s0  }
0xac: {  	v6 =	vmov s13;
	[hbm4b:s0+s1] =	stream.linear.scatter @!p0 [tilespmem:s12], [sflag:$0x5], $0x2000, $0x38;
	[tilespmem:$0x16E80] =	vst v63  }
0xad: {  	s0 =	simm.s32 @!p0 $0x3  }
0xae: {  	_ =	swait.ge @!p0 [sflag:s0], $0x200  }
0xaf: {  	[sflag:s0] =	ssyncset.done @!p0 $0x0  }
0xb0: {  	[sflag:s0] =	ssyncadd.s32 @!p0 $0xFFFFFE00  }
0xb1: {  	v6 =	vld.idx.msk [tilespmem:v6+s19+$0x0], $0xffff;
	_ =	sdelay $0x6  }
0xb2: {  	s0 =	simm.s32 $0x0  }
0xb3: {  	v7 =	vld.idx.msk [tilespmem:v6+s0+$0x0], $0xffff  }
0xb4: {  	v8 =	vld.idx.msk [tilespmem:v6+s17+$0x0], $0xffff;
	_ =	sdelay $0x1  }
0xb5: {  	v6 =	vld.idx.msk [tilespmem:v6+s18+$0x0], $0xffff;
	_ =	sdelay $0x2  }
0xb6: {  	v9 =	vmul.f32 v7, v7;
	v10 =	vmul.f32 v8, v8;
	_ =	sdelay $0x1  }
0xb7: {  	v9 =	vadd.f32 v10, v9;
	v10 =	vmul.f32 v6, v6  }
0xb8: {  	v11 =	vshrl.u32 v8, $0x10  }
0xb9: {  	v12 =	vshrl.u32 v6, $0x10;
	v9 =	vadd.f32 v10, v9;
	v10 =	vshrl.u32 v7, $0x10  }
0xba: {  	v11 =	vand.u32 $0x1, v11;
	v12 =	vand.u32 $0x1, v12;
	v10 =	vand.u32 $0x1, v10  }
0xbb: {  	v11 =	vadd.s32 v11, v8;
	v12 =	vadd.s32 v12, v6;
	v10 =	vadd.s32 v10, v7  }
0xbc: {  	s14 =	simm.s32 $0xED20;
	s15 =	simm.s32 $0x76A0;
	s30 =	simm.s32 $0xC5A0;
	v11 =	vadd.s32 $0x7FFF, v11;
	v12 =	vadd.s32 $0x7FFF, v12;
	v10 =	vadd.s32 $0x7FFF, v10  }
0xbd: {  	s31 =	simm.s32 $0x0;
	s12 =	simm.s32 $0x9E20;
	s1 =	simm.s32 $0x0;
	v11 =	vand.u32 $0xFFFF0000, v11;
	v12 =	vand.u32 $0xFFFF0000, v12;
	v10 =	vand.u32 $0xFFFF0000, v10  }
.LBB2_6:
0xbe: {  	v13 =	vld [tilespmem:s15+$0xFFFFFFE0]  }
0xbf: {  	v14 =	vld [tilespmem:s12+$0xFFFFFFE0];
	_ =	sdelay $0x1  }
0xc0: {  	v15 =	vld [tilespmem:s30+$0xFFFFFFE0];
	_ =	sdelay $0x2  }
0xc1: {  	v13 =	vmul.f32 v10, v13;
	v14 =	vmul.f32 v11, v14  }
0xc2: {  	v16 =	vld [tilespmem:s14+$0xFFFFFFE0]  }
0xc3: {  	v13 =	vadd.f32 v14, v13;
	v14 =	vmul.f32 v12, v15;
	_ =	sdelay $0x1  }
0xc4: {  	v13 =	vadd.f32 v14, v13;
	_ =	sdelay $0x1  }
0xc5: {  	v14 =	vadd.f32 v16, v9;
	v13 =	vadd.f32 v13, v13;
	_ =	sdelay $0x1  }
0xc6: {  	v13 =	vsub.f32 v14, v13;
	_ =	sdelay $0x1  }
0xc7: {  	vm0 =	vle.f32 v13, $3.999999910e-02  }
0xc8: {  	(xrf0) =	vadd.scan.msk.s32 vm0, v0;
	_ =	sdelay $0x2  }
0xc9: {  	v13 =	vmov s0  }
0xca: {  	v13 =	vadd.s32 $0xFFFFFFFF, v13  }
0xcb: {  	v13 =	vbroadcast v13, $0x0  }
0xcc: {  	v14, _, _ =	vpop (xrf0)  }
0xcd: {  	v13 =	vadd.s32 v14, v13  }
0xce: {  	v14 =	vmpcnt.ones.xlane vm0;
	vm1 =	vlt.s32 v13, $0x80  }
0xcf: {  	vm0 =	vmand vm0, vm1  }
0xd0: {  	v14 =	vxor.u32 $0x80000000, v14  }
0xd1: {  	(xrf0) =	vmax.scan.msk.u32 $0xffff, v14;
	_ =	sdelay $0x2  }
0xd2: {  	v14 =	vor.u32 s31, v1  }
0xd3: {  	[tilespmem:v13+s20+$0x0] =	vst.idx.msk vm0, v14  }
0xd4: {  	v13 =	vld [tilespmem:s15+$0xFFFFFFF0]  }
0xd5: {  	v14, _, _ =	vpop (xrf0);
	v15 =	vld [tilespmem:s12+$0xFFFFFFF0]  }
0xd6: {  	(v2sf) =	vpush v14, $0xF  }
0xd7: {  	v14 =	vld [tilespmem:s30+$0xFFFFFFF0];
	_ =	sdelay $0x2  }
0xd8: {  	v13 =	vmul.f32 v10, v13;
	v15 =	vmul.f32 v11, v15  }
0xd9: {  	v61 =	vld [tilespmem:s14+$0xFFFFFFF0]  }
0xda: {  	v14 =	vmul.f32 v12, v14;
	v13 =	vadd.f32 v15, v13;
	_ =	sdelay $0x1  }
0xdb: {  	v13 =	vadd.f32 v14, v13;
	_ =	sdelay $0x1  }
0xdc: {  	v14 =	vadd.f32 v61, v9;
	v13 =	vadd.f32 v13, v13;
	_ =	sdelay $0x1  }
0xdd: {  	v13 =	vsub.f32 v14, v13;
	_ =	sdelay $0x1  }
0xde: {  	vm10 =	vle.f32 v13, $3.999999910e-02  }
0xdf: {  	s2 =	spop (v2sf);
	(xrf0) =	vadd.scan.msk.s32 vm10, v0  }
0xe0: {  	s2 =	sadd.s32 s2, s0  }
0xe1: {  	s0 =	sadd.s32 $0x80000000, s2  }
0xe2: {  	v13 =	vmov s0  }
0xe3: {  	v13 =	vadd.s32 $0xFFFFFFFF, v13  }
0xe4: {  	v13 =	vbroadcast v13, $0x0  }
0xe5: {  	v14, _, _ =	vpop (xrf0)  }
0xe6: {  	v13 =	vadd.s32 v14, v13  }
0xe7: {  	v14 =	vmpcnt.ones.xlane vm10;
	vm11 =	vlt.s32 v13, $0x80  }
0xe8: {  	vm0 =	vmand vm10, vm11  }
0xe9: {  	v14 =	vxor.u32 $0x80000000, v14  }
0xea: {  	(xrf0) =	vmax.scan.msk.u32 $0xffff, v14;
	_ =	sdelay $0x1  }
0xeb: {  	s2 =	sadd.s32 $0x10, s31  }
0xec: {  	v14 =	vor.u32 s2, v1  }
0xed: {  	[tilespmem:v13+s20+$0x0] =	vst.idx.msk vm0, v14  }
0xee: {  	v13 =	vld [tilespmem:s15+$0x0]  }
0xef: {  	v14, _, _ =	vpop (xrf0);
	v15 =	vld [tilespmem:s12+$0x0]  }
0xf0: {  	(v2sf) =	vpush v14, $0xF  }
0xf1: {  	v14 =	vld [tilespmem:s30+$0x0];
	_ =	sdelay $0x2  }
0xf2: {  	v13 =	vmul.f32 v10, v13;
	v15 =	vmul.f32 v11, v15  }
0xf3: {  	v62 =	vld [tilespmem:s14+$0x0]  }
0xf4: {  	v14 =	vmul.f32 v12, v14;
	v13 =	vadd.f32 v15, v13;
	_ =	sdelay $0x1  }
0xf5: {  	v13 =	vadd.f32 v14, v13;
	_ =	sdelay $0x1  }
0xf6: {  	v14 =	vadd.f32 v62, v9;
	v13 =	vadd.f32 v13, v13;
	_ =	sdelay $0x1  }
0xf7: {  	v13 =	vsub.f32 v14, v13;
	_ =	sdelay $0x1  }
0xf8: {  	vm12 =	vle.f32 v13, $3.999999910e-02  }
0xf9: {  	s2 =	spop (v2sf);
	(xrf0) =	vadd.scan.msk.s32 vm12, v0  }
0xfa: {  	s0 =	sadd.s32 s2, s0  }
0xfb: {  	s0 =	sadd.s32 $0x80000000, s0  }
0xfc: {  	v13 =	vmov s0  }
0xfd: {  	v13 =	vadd.s32 $0xFFFFFFFF, v13  }
0xfe: {  	v13 =	vbroadcast v13, $0x0  }
0xff: {  	v14, _, _ =	vpop (xrf0)  }
0x100: {  	v13 =	vadd.s32 v14, v13  }
0x101: {  	vm13 =	vlt.s32 v13, $0x80  }
0x102: {  	vm1 =	vmand vm12, vm13;
	_ =	sdelay $0x3  }
0x103: {  	s2 =	sadd.s32 $0x20, s31  }
0x104: {  	v14 =	vor.u32 s2, v1  }
0x105: {  	[tilespmem:v13+s20+$0x0] =	vst.idx.msk vm1, v14  }
0x106: {  	v13 =	vld [tilespmem:s15+$0x10]  }
0x107: {  	v14 =	vld [tilespmem:s12+$0x10];
	_ =	sdelay $0x1  }
0x108: {  	v15 =	vld [tilespmem:s30+$0x10];
	_ =	sdelay $0x2  }
0x109: {  	v13 =	vmul.f32 v10, v13;
	v14 =	vmul.f32 v11, v14  }
0x10a: {  	v17 =	vld [tilespmem:s14+$0x10]  }
0x10b: {  	v13 =	vadd.f32 v14, v13;
	v14 =	vmul.f32 v12, v15;
	_ =	sdelay $0x1  }
0x10c: {  	v13 =	vadd.f32 v14, v13  }
0x10d: {  	v63 =	vmpcnt.ones.xlane vm12  }
0x10e: {  	v14 =	vadd.f32 v17, v9;
	v13 =	vadd.f32 v13, v13  }
0x10f: {  	v15 =	vxor.u32 $0x80000000, v63  }
0x110: {  	(xrf0) =	vmax.scan.msk.u32 $0xffff, v15;
	v13 =	vsub.f32 v14, v13;
	_ =	sdelay $0x1  }
0x111: {  	vm14 =	vle.f32 v13, $3.999999910e-02  }
0x112: {  	v13 =	vmpcnt.ones.xlane vm14;
	_ =	sdelay $0x1  }
0x113: {  	(xrf0) =	vadd.scan.msk.s32 vm14, v0;
	v13 =	vxor.u32 $0x80000000, v13  }
0x114: {  	v14, _, _ =	vpop (xrf0);
	(xrf0) =	vmax.scan.msk.u32 $0xffff, v13  }
0x115: {  	(v2sf) =	vpush v14, $0xF;
	_ =	sdelay $0x3  }
0x116: {  	v13, _, _ =	vpop (xrf0)  }
0x117: {  	v14, _, _ =	vpop (xrf0)  }
0x118: {  	(v2sf) =	vpush v14, $0xF;
	_ =	sdelay $0x8  }
0x119: {  	s2 =	spop (v2sf)  }
0x11a: {  	s0 =	sadd.s32 s2, s0  }
0x11b: {  	s0 =	sadd.s32 $0x80000000, s0  }
0x11c: {  	v14 =	vmov s0  }
0x11d: {  	v14 =	vadd.s32 $0xFFFFFFFF, v14  }
0x11e: {  	v14 =	vbroadcast v14, $0x0  }
0x11f: {  	s2 =	spop (v2sf)  }
0x120: {  	v13 =	vadd.s32 v13, v14;
	s0 =	sadd.s32 s2, s0  }
0x121: {  	p1 =	sgt.u32 s1, $0x26F;
	vm15 =	vlt.s32 v13, $0x80;
	s0 =	sadd.s32 $0x80000000, s0  }
0x122: {  	vm0 =	vmand vm14, vm15;
	p2 =	slt.s32 @!p1 s0, $0x40  }
0x123: {  	p1 =	por p1, !p2  }
.Ltmp6:
0x124: {  	_ = 	snop;
	(pc) =	sbr.rel @!p1 .LBB2_6-.Ltmp6, $4  }
0x125: {  	_ = 	snop  }
0x126: {  	s2 =	sadd.s32 $0x30, s31  }
0x127: {  	s1 =	sadd.s32 $0x4, s1;
	s14 =	sadd.s32 $0x40, s14;
	s15 =	sadd.s32 $0x40, s15;
	v14 =	vor.u32 s2, v1  }
0x128: {  	s12 =	sadd.s32 $0x40, s12;
	s30 =	sadd.s32 $0x40, s30;
	s31 =	sadd.s32 $0x40, s31;
	[tilespmem:v13+s20+$0x0] =	vst.idx.msk vm0, v14  }
0x129: {  	v9 =	vld [tilespmem:$0x12880]  }
0x12a: {  	p1 =	slt.s32 s0, $0x40  }
0x12b: {  	s0 =	simm.s32 @!p1 $0x40  }
0x12c: {  	v10 =	vmov s0  }
0x12d: {  	vm0 =	vgt.s32 v10, v1  }
0x12e: {  	v9 =	vnsel vm0, $0x0, v9;
	_ =	sdelay $0x3  }
0x12f: {  	v13 =	vld [tilespmem:$0x12890];
	[tilespmem:$0x12980] =	vst v9  }
0x130: {  	v11 =	vld.idx.msk [tilespmem:v9+s3+$0x0], $0xffff  }
0x131: {  	v12 =	vld.idx.msk [tilespmem:v9+s17+$0x0], $0xffff  }
0x132: {  	v9 =	vld.idx.msk [tilespmem:v9+s18+$0x0], $0xffff;
	_ =	sdelay $0x1  }
0x133: {  	vm1 =	vgt.s32 v10, v3;
	v53 =	vsel vm0, $0x3F800000, v2  }
0x134: {  	v52 =	vnsel vm1, $0x0, v13;
	[tilespmem:$0x16C00] =	vst v53;
	v11 =	vsub.f32 v11, v7  }
0x135: {  	[tilespmem:$0x12990] =	vst v52;
	v12 =	vsub.f32 v12, v8  }
0x136: {  	v9 =	vsub.f32 v9, v6;
	[tilespmem:$0x16A80] =	vst v11  }
0x137: {  	[tilespmem:$0x16B00] =	vst v12  }
0x138: {  	v54 =	vld [tilespmem:$0x128A0];
	[tilespmem:$0x16B80] =	vst v9  }
0x139: {  	v9 =	vld.idx.msk [tilespmem:v52+s3+$0x0], $0xffff  }
0x13a: {  	v12 =	vld.idx.msk [tilespmem:v52+s17+$0x0], $0xffff  }
0x13b: {  	v11 =	vld.idx.msk [tilespmem:v52+s18+$0x0], $0xffff;
	_ =	sdelay $0x1  }
0x13c: {  	vm14 =	vgt.s32 v10, v4;
	v57 =	vsel vm1, $0x3F800000, v2  }
0x13d: {  	v56 =	vnsel vm14, $0x0, v54;
	[tilespmem:$0x16C10] =	vst v57;
	v9 =	vsub.f32 v9, v7  }
0x13e: {  	[tilespmem:$0x129A0] =	vst v56;
	v12 =	vsub.f32 v12, v8  }
0x13f: {  	v55 =	vsub.f32 v11, v6;
	[tilespmem:$0x16A90] =	vst v9  }
0x140: {  	[tilespmem:$0x16B10] =	vst v12  }
0x141: {  	v58 =	vld [tilespmem:$0x128B0];
	[tilespmem:$0x16B90] =	vst v55  }
0x142: {  	v9 =	vld.idx.msk [tilespmem:v56+s3+$0x0], $0xffff  }
0x143: {  	v12 =	vld.idx.msk [tilespmem:v56+s17+$0x0], $0xffff  }
0x144: {  	v11 =	vld.idx.msk [tilespmem:v56+s18+$0x0], $0xffff;
	_ =	sdelay $0x1  }
0x145: {  	vm15 =	vgt.s32 v10, v5;
	v62 =	vsel vm14, $0x3F800000, v2  }
0x146: {  	v61 =	vnsel vm15, $0x0, v58;
	[tilespmem:$0x16C20] =	vst v62;
	v9 =	vsub.f32 v9, v7  }
0x147: {  	[tilespmem:$0x129B0] =	vst v61;
	v59 =	vsub.f32 v12, v8  }
0x148: {  	v60 =	vsub.f32 v11, v6;
	[tilespmem:$0x16AA0] =	vst v9  }
0x149: {  	[tilespmem:$0x16B20] =	vst v59  }
0x14a: {  	[tilespmem:$0x16BA0] =	vst v60  }
0x14b: {  	v9 =	vld.idx.msk [tilespmem:v61+s3+$0x0], $0xffff  }
0x14c: {  	v10 =	vld.idx.msk [tilespmem:v61+s17+$0x0], $0xffff  }
0x14d: {  	v11 =	vld.idx.msk [tilespmem:v61+s18+$0x0], $0xffff;
	_ =	sdelay $0x2  }
0x14e: {  	v7 =	vsub.f32 v9, v7  }
0x14f: {  	v63 =	vsub.f32 v10, v8  }
0x150: {  	v6 =	vsub.f32 v11, v6;
	[tilespmem:$0x16AB0] =	vst v7  }
0x151: {  	[tilespmem:$0x16B30] =	vst v63  }
0x152: {  	[tilespmem:$0x16BB0] =	vst v6;
	v6 =	vsel vm15, $0x3F800000, v2  }
0x153: {  	s0 =	simm.s32 @!p0 $0x5;
	[tilespmem:$0x16C30] =	vst v6  }
0x154: {  	_ =	swait.ge @!p0 [sflag:s0], $0x2000  }
0x155: {  	[sflag:s0] =	ssyncset.done @!p0 $0x0  }
0x156: {  	s31 =	sshll.u32 s13, $0x6;
	[sflag:s0] =	ssyncadd.s32 @!p0 $0xFFFFE000  }
0x157: {  	[tilespmem:s23], [sflag:$0x1] =	stream.indirect.gather [hbm4b:s9+s21], $0x80, s22, s21, $0xb8;
	[tilespmem:$0x16E80] =	vst v63  }
0x158: {  	s0 =	sadd.s32 s11, s31  }
0x159: {  	[hbm4b:s0+s3] =	stream.linear.scatter [tilespmem:s24], [sflag:$0x3], $0x200, $0x38;
	[tilespmem:$0x16E80] =	vst v63  }
.LBB2_8:
0x15a: {  	s0 =	sadd.s32 s8, s4  }
0x15b: {  	s8 =	sadd.s32 $0x1, s0  }
0x15c: {  	p1 =	sge.u32 s8, s7  }
.Ltmp7:
0x15d: {  	_ = 	snop;
	(pc) =	sbr.rel @p1 .LBB2_12-.Ltmp7, $1  }
0x15e: {  	_ =	sdelay $0x3  }
0x15f: {  	s0 =	simm.s32 @!p0 $0x2  }
0x160: {  	s1 =	sshll.u32 @!p0 s8, $0xD;
	_ =	swait.ge @!p0 [sflag:s0], $0x2000  }
0x161: {  	s1 =	sadd.s32 @!p0 $0xFFFFC000, s1;
	[sflag:s0] =	ssyncset.done @!p0 $0x0  }
0x162: {  	[sflag:s0] =	ssyncadd.s32 @!p0 $0xFFFFE000;
	s0 =	sshrl.u32 @!p0 s1, $0x3  }
0x163: {  	s2 =	simm.s32 @!p0 $0x14A80;
	s1 =	simm.s32 @!p0 $0x0;
	s0 =	sadd.s32 @!p0 s10, s0  }
0x164: {  	v6 =	vmov s8;
	[hbm4b:s0+s1] =	stream.linear.scatter @!p0 [tilespmem:s2], [sflag:$0x6], $0x2000, $0x38;
	[tilespmem:$0x16E80] =	vst v63  }
0x165: {  	s0 =	simm.s32 @!p0 $0x4  }
0x166: {  	_ =	swait.ge @!p0 [sflag:s0], $0x200  }
0x167: {  	[sflag:s0] =	ssyncset.done @!p0 $0x0  }
0x168: {  	[sflag:s0] =	ssyncadd.s32 @!p0 $0xFFFFFE00  }
0x169: {  	v6 =	vld.idx.msk [tilespmem:v6+s19+$0x0], $0xffff;
	_ =	sdelay $0x6  }
0x16a: {  	s0 =	simm.s32 $0x0  }
0x16b: {  	v7 =	vld.idx.msk [tilespmem:v6+s0+$0x0], $0xffff  }
0x16c: {  	v8 =	vld.idx.msk [tilespmem:v6+s17+$0x0], $0xffff;
	_ =	sdelay $0x1  }
0x16d: {  	v6 =	vld.idx.msk [tilespmem:v6+s18+$0x0], $0xffff;
	_ =	sdelay $0x2  }
0x16e: {  	v9 =	vmul.f32 v7, v7;
	v10 =	vmul.f32 v8, v8;
	_ =	sdelay $0x1  }
0x16f: {  	v9 =	vadd.f32 v10, v9;
	v10 =	vmul.f32 v6, v6  }
0x170: {  	v11 =	vshrl.u32 v8, $0x10  }
0x171: {  	v12 =	vshrl.u32 v6, $0x10;
	v9 =	vadd.f32 v10, v9;
	v10 =	vshrl.u32 v7, $0x10  }
0x172: {  	v11 =	vand.u32 $0x1, v11;
	v12 =	vand.u32 $0x1, v12;
	v10 =	vand.u32 $0x1, v10  }
0x173: {  	v11 =	vadd.s32 v11, v8;
	v12 =	vadd.s32 v12, v6;
	v10 =	vadd.s32 v10, v7  }
0x174: {  	s13 =	simm.s32 $0xED20;
	s14 =	simm.s32 $0x76A0;
	s12 =	simm.s32 $0x9E20;
	v11 =	vadd.s32 $0x7FFF, v11;
	v12 =	vadd.s32 $0x7FFF, v12;
	v10 =	vadd.s32 $0x7FFF, v10  }
0x175: {  	s15 =	simm.s32 $0xC5A0;
	s30 =	simm.s32 $0x0;
	s1 =	simm.s32 $0x0;
	v11 =	vand.u32 $0xFFFF0000, v11;
	v12 =	vand.u32 $0xFFFF0000, v12;
	v10 =	vand.u32 $0xFFFF0000, v10  }
.LBB2_10:
0x176: {  	v13 =	vld [tilespmem:s14+$0xFFFFFFE0]  }
0x177: {  	v14 =	vld [tilespmem:s12+$0xFFFFFFE0];
	_ =	sdelay $0x1  }
0x178: {  	v15 =	vld [tilespmem:s15+$0xFFFFFFE0];
	_ =	sdelay $0x2  }
0x179: {  	v13 =	vmul.f32 v10, v13;
	v14 =	vmul.f32 v11, v14  }
0x17a: {  	v16 =	vld [tilespmem:s13+$0xFFFFFFE0]  }
0x17b: {  	v13 =	vadd.f32 v14, v13;
	v14 =	vmul.f32 v12, v15;
	_ =	sdelay $0x1  }
0x17c: {  	v13 =	vadd.f32 v14, v13;
	_ =	sdelay $0x1  }
0x17d: {  	v14 =	vadd.f32 v16, v9;
	v13 =	vadd.f32 v13, v13;
	_ =	sdelay $0x1  }
0x17e: {  	v13 =	vsub.f32 v14, v13;
	_ =	sdelay $0x1  }
0x17f: {  	vm0 =	vle.f32 v13, $3.999999910e-02  }
0x180: {  	(xrf0) =	vadd.scan.msk.s32 vm0, v0;
	_ =	sdelay $0x2  }
0x181: {  	v13 =	vmov s0  }
0x182: {  	v13 =	vadd.s32 $0xFFFFFFFF, v13  }
0x183: {  	v13 =	vbroadcast v13, $0x0  }
0x184: {  	v14, _, _ =	vpop (xrf0)  }
0x185: {  	v13 =	vadd.s32 v14, v13  }
0x186: {  	v14 =	vmpcnt.ones.xlane vm0;
	vm1 =	vlt.s32 v13, $0x80  }
0x187: {  	vm0 =	vmand vm0, vm1  }
0x188: {  	v14 =	vxor.u32 $0x80000000, v14  }
0x189: {  	(xrf0) =	vmax.scan.msk.u32 $0xffff, v14;
	_ =	sdelay $0x2  }
0x18a: {  	v14 =	vor.u32 s30, v1  }
0x18b: {  	[tilespmem:v13+s25+$0x0] =	vst.idx.msk vm0, v14  }
0x18c: {  	v13 =	vld [tilespmem:s14+$0xFFFFFFF0]  }
0x18d: {  	v14, _, _ =	vpop (xrf0);
	v15 =	vld [tilespmem:s12+$0xFFFFFFF0]  }
0x18e: {  	(v2sf) =	vpush v14, $0xF  }
0x18f: {  	v14 =	vld [tilespmem:s15+$0xFFFFFFF0];
	_ =	sdelay $0x2  }
0x190: {  	v13 =	vmul.f32 v10, v13;
	v15 =	vmul.f32 v11, v15  }
0x191: {  	v61 =	vld [tilespmem:s13+$0xFFFFFFF0]  }
0x192: {  	v14 =	vmul.f32 v12, v14;
	v13 =	vadd.f32 v15, v13;
	_ =	sdelay $0x1  }
0x193: {  	v13 =	vadd.f32 v14, v13;
	_ =	sdelay $0x1  }
0x194: {  	v14 =	vadd.f32 v61, v9;
	v13 =	vadd.f32 v13, v13;
	_ =	sdelay $0x1  }
0x195: {  	v13 =	vsub.f32 v14, v13;
	_ =	sdelay $0x1  }
0x196: {  	vm10 =	vle.f32 v13, $3.999999910e-02  }
0x197: {  	s2 =	spop (v2sf);
	(xrf0) =	vadd.scan.msk.s32 vm10, v0  }
0x198: {  	s2 =	sadd.s32 s2, s0  }
0x199: {  	s0 =	sadd.s32 $0x80000000, s2  }
0x19a: {  	v13 =	vmov s0  }
0x19b: {  	v13 =	vadd.s32 $0xFFFFFFFF, v13  }
0x19c: {  	v13 =	vbroadcast v13, $0x0  }
0x19d: {  	v14, _, _ =	vpop (xrf0)  }
0x19e: {  	v13 =	vadd.s32 v14, v13  }
0x19f: {  	v14 =	vmpcnt.ones.xlane vm10;
	vm11 =	vlt.s32 v13, $0x80  }
0x1a0: {  	vm0 =	vmand vm10, vm11  }
0x1a1: {  	v14 =	vxor.u32 $0x80000000, v14  }
0x1a2: {  	(xrf0) =	vmax.scan.msk.u32 $0xffff, v14;
	_ =	sdelay $0x1  }
0x1a3: {  	s31 =	sadd.s32 $0x10, s30  }
0x1a4: {  	v14 =	vor.u32 s31, v1  }
0x1a5: {  	[tilespmem:v13+s25+$0x0] =	vst.idx.msk vm0, v14  }
0x1a6: {  	v13 =	vld [tilespmem:s14+$0x0]  }
0x1a7: {  	v14, _, _ =	vpop (xrf0);
	v15 =	vld [tilespmem:s12+$0x0]  }
0x1a8: {  	(v2sf) =	vpush v14, $0xF  }
0x1a9: {  	v14 =	vld [tilespmem:s15+$0x0];
	_ =	sdelay $0x2  }
0x1aa: {  	v13 =	vmul.f32 v10, v13;
	v15 =	vmul.f32 v11, v15  }
0x1ab: {  	v62 =	vld [tilespmem:s13+$0x0]  }
0x1ac: {  	v14 =	vmul.f32 v12, v14;
	v13 =	vadd.f32 v15, v13;
	_ =	sdelay $0x1  }
0x1ad: {  	v13 =	vadd.f32 v14, v13;
	_ =	sdelay $0x1  }
0x1ae: {  	v14 =	vadd.f32 v62, v9;
	v13 =	vadd.f32 v13, v13;
	_ =	sdelay $0x1  }
0x1af: {  	v13 =	vsub.f32 v14, v13;
	_ =	sdelay $0x1  }
0x1b0: {  	vm12 =	vle.f32 v13, $3.999999910e-02  }
0x1b1: {  	s31 =	spop (v2sf);
	(xrf0) =	vadd.scan.msk.s32 vm12, v0  }
0x1b2: {  	s0 =	sadd.s32 s31, s0  }
0x1b3: {  	s0 =	sadd.s32 $0x80000000, s0  }
0x1b4: {  	v13 =	vmov s0  }
0x1b5: {  	v13 =	vadd.s32 $0xFFFFFFFF, v13  }
0x1b6: {  	v13 =	vbroadcast v13, $0x0  }
0x1b7: {  	v14, _, _ =	vpop (xrf0)  }
0x1b8: {  	v13 =	vadd.s32 v14, v13  }
0x1b9: {  	vm13 =	vlt.s32 v13, $0x80  }
0x1ba: {  	vm1 =	vmand vm12, vm13;
	_ =	sdelay $0x3  }
0x1bb: {  	s31 =	sadd.s32 $0x20, s30  }
0x1bc: {  	v14 =	vor.u32 s31, v1  }
0x1bd: {  	[tilespmem:v13+s25+$0x0] =	vst.idx.msk vm1, v14  }
0x1be: {  	v13 =	vld [tilespmem:s14+$0x10]  }
0x1bf: {  	v14 =	vld [tilespmem:s12+$0x10];
	_ =	sdelay $0x1  }
0x1c0: {  	v15 =	vld [tilespmem:s15+$0x10];
	_ =	sdelay $0x2  }
0x1c1: {  	v13 =	vmul.f32 v10, v13;
	v14 =	vmul.f32 v11, v14  }
0x1c2: {  	v17 =	vld [tilespmem:s13+$0x10]  }
0x1c3: {  	v13 =	vadd.f32 v14, v13;
	v14 =	vmul.f32 v12, v15;
	_ =	sdelay $0x1  }
0x1c4: {  	v13 =	vadd.f32 v14, v13  }
0x1c5: {  	v63 =	vmpcnt.ones.xlane vm12  }
0x1c6: {  	v14 =	vadd.f32 v17, v9;
	v13 =	vadd.f32 v13, v13  }
0x1c7: {  	v15 =	vxor.u32 $0x80000000, v63  }
0x1c8: {  	(xrf0) =	vmax.scan.msk.u32 $0xffff, v15;
	v13 =	vsub.f32 v14, v13;
	_ =	sdelay $0x1  }
0x1c9: {  	vm14 =	vle.f32 v13, $3.999999910e-02  }
0x1ca: {  	v13 =	vmpcnt.ones.xlane vm14;
	_ =	sdelay $0x1  }
0x1cb: {  	(xrf0) =	vadd.scan.msk.s32 vm14, v0;
	v13 =	vxor.u32 $0x80000000, v13  }
0x1cc: {  	v14, _, _ =	vpop (xrf0);
	(xrf0) =	vmax.scan.msk.u32 $0xffff, v13  }
0x1cd: {  	(v2sf) =	vpush v14, $0xF;
	_ =	sdelay $0x3  }
0x1ce: {  	v13, _, _ =	vpop (xrf0)  }
0x1cf: {  	v14, _, _ =	vpop (xrf0)  }
0x1d0: {  	(v2sf) =	vpush v14, $0xF;
	_ =	sdelay $0x8  }
0x1d1: {  	s31 =	spop (v2sf)  }
0x1d2: {  	s0 =	sadd.s32 s31, s0  }
0x1d3: {  	s0 =	sadd.s32 $0x80000000, s0  }
0x1d4: {  	v14 =	vmov s0  }
0x1d5: {  	v14 =	vadd.s32 $0xFFFFFFFF, v14  }
0x1d6: {  	v14 =	vbroadcast v14, $0x0  }
0x1d7: {  	s31 =	spop (v2sf)  }
0x1d8: {  	v13 =	vadd.s32 v13, v14;
	s0 =	sadd.s32 s31, s0  }
0x1d9: {  	p1 =	sgt.u32 s1, $0x26F;
	vm15 =	vlt.s32 v13, $0x80;
	s0 =	sadd.s32 $0x80000000, s0  }
0x1da: {  	vm0 =	vmand vm14, vm15;
	p2 =	slt.s32 @!p1 s0, $0x40  }
0x1db: {  	p1 =	por p1, !p2  }
.Ltmp8:
0x1dc: {  	_ = 	snop;
	(pc) =	sbr.rel @!p1 .LBB2_10-.Ltmp8, $4  }
0x1dd: {  	_ = 	snop  }
0x1de: {  	s31 =	sadd.s32 $0x30, s30  }
0x1df: {  	s1 =	sadd.s32 $0x4, s1;
	s13 =	sadd.s32 $0x40, s13;
	s14 =	sadd.s32 $0x40, s14;
	v14 =	vor.u32 s31, v1  }
0x1e0: {  	s12 =	sadd.s32 $0x40, s12;
	s15 =	sadd.s32 $0x40, s15;
	s30 =	sadd.s32 $0x40, s30;
	[tilespmem:v13+s25+$0x0] =	vst.idx.msk vm0, v14  }
.Ltmp9:
0x1e1: {  	_ = 	snop;
	(pc) =	sbr.rel .LBB2_11-.Ltmp9, $1  }
0x1e2: {  	_ =	sdelay $0x3  }
.LBB2_14:
0x1e3: {  	_ =	sfence.sel $0x180000  }
0x1e4: {  	[bflag:$0x0] =	sbarrier.arrive $0xFFFF  }
0x1e5: {  	_ =	strace $0x9000004A  }
0x1e6: {  	s0 =	stileid.u32;
	[bflag:$0x2] =	sbarrier.arrive $0xFFFF  }
0x1e7: {  	p0 =	sne.s32 s0, $0x0;
	s0 =	rddreg [dreg:$0x2]  }
0x1e8: {  	s0 =	sadd.s32 @!p0 $0x100000, s0  }
0x1e9: {  	[sflag:s0] =	ssyncadd.tile.s32 @!p0 $0x1;
	_ =	shalt  }
.Lfunc_end2:
_tile_overlayer_lowered:
.L_overlay_start_2:
0x1ea: {  	(tag) =	ssettag $0x2  }
0x1eb: {  	s0 =	rddreg [dreg:$0x0];
	s2 =	stileid.u32  }
0x1ec: {  	s1 =	rddreg [dreg:$0x1];
	p0 =	sne.s32 s2, $0x0  }
0x1ed: {  	s3 =	rddreg [dreg:$0x2];
	[bflag:$0x3] =	sbarrier.arrive $0xFFFF;
	s2 =	simm.s32 @!p0 $0x1C07  }
0x1ee: {  	[timem:s3], [sflag:s2] =	dma.local @!p0 [hbm:s0], s1  }
0x1ef: {  	s0 =	simm.s32 @!p0 $0x7  }
0x1f0: {  	_ =	swait.ge @!p0 [sflag:s0], s1  }
0x1f1: {  	s1 =	ssub.s32 @!p0 $0x0, s1;
	[sflag:s0] =	ssyncset.done @!p0 $0x0  }
0x1f2: {  	[sflag:s0] =	ssyncadd.s32 @!p0 s1  }
0x1f3: {  	[bflag:$0x3] =	sbarrier.arrive $0xFFFF  }
0x1f4: {  	_ =	shalt  }

</sc_bundles>
